<compile_context>
chip_gen: v7x
topology: tpu7x:2x2x1
jax: 0.10.2.dev20260603
libtpu: 0.0.44.dev20260713+nightly
codegen_flags: <defaults>
</compile_context>

<pallas_src>
import functools

import jax
import jax.numpy as jnp
from jax import lax
from jax.experimental import pallas as pl
from jax.experimental.pallas import tpu as pltpu
from jax.experimental.pallas import tpu_sc as plsc

_B, _D2, _V, _D = 16384, 64, 100000, 128
_NCHUNK = 1
_CB = _B // _NCHUNK
_TBLK = 4096
_NSTREAM = 8
_GPAD = 131072


@functools.cache
def _gather_fn(chunk):
    info = plsc.get_sparse_core_info()
    nc, ns = info.num_cores, info.num_subcores
    nw = nc * ns
    b_per_w = _CB // nw
    q = b_per_w // _NSTREAM

    mesh = plsc.VectorSubcoreMesh(core_axis_name="c", subcore_axis_name="s")

    @functools.partial(
        pl.kernel,
        mesh=mesh,
        out_type=jax.ShapeDtypeStruct((_GPAD, _D), jnp.float32),
        scratch_types=[
            pltpu.VMEM((b_per_w,), jnp.int32),
            pltpu.VMEM((b_per_w, _D), jnp.float32),
            pltpu.SemaphoreType.DMA((_NSTREAM,)),
            pltpu.SemaphoreType.DMA((_NSTREAM,)),
        ],
    )
    def gather(table_hbm, idx_hbm, out_hbm, idx_v, rows_v, sems, wsems):
        wid = lax.axis_index("s") * nc + lax.axis_index("c")
        base = wid * b_per_w
        pltpu.sync_copy(idx_hbm.at[pl.ds(chunk * _CB + base, b_per_w)], idx_v)
        cps = [
            pltpu.async_copy(table_hbm.at[idx_v.at[pl.ds(k * q, q)]],
                             rows_v.at[pl.ds(k * q, q)], sems.at[k])
            for k in range(_NSTREAM)
        ]
        wbs = []
        for k in range(_NSTREAM):
            cps[k].wait()
            wbs.append(
                pltpu.async_copy(rows_v.at[pl.ds(k * q, q)],
                                 out_hbm.at[pl.ds(base + k * q, q)],
                                 wsems.at[k]))
        for wb in wbs:
            wb.wait()

    return gather


def _score_body(g_ref, hm_ref, tm_ref, hp_ref, tp_ref, lam_ref,
                lam2_ref, out_ref):
    gt = g_ref[...].T
    x = gt[:_D2, :]
    y = gt[_D2:, :]
    m = jnp.sqrt(x * x + y * y)
    v = (hp_ref[...] - tp_ref[...]) * 0.5
    v2 = v * v
    cv = 1.0 + v2 * (-0.5 + v2 * (1.0 / 24.0 + v2 * (-1.0 / 720.0)))
    sv = v * (1.0 + v2 * (-1.0 / 6.0 + v2 * (1.0 / 120.0)))
    ax = m + jnp.abs(x)
    big = jnp.sqrt(ax * 0.5)
    small = jnp.abs(y) * lax.rsqrt(jnp.maximum(ax + ax, 1e-30))
    a = jnp.where(x >= 0.0, big, small)
    bb = jnp.where(x >= 0.0, small, big)
    b = jnp.where(y >= 0.0, bb, -bb)
    r = lax.rsqrt(jnp.maximum(m, 1e-30))
    pterm = jnp.abs(cv * a - sv * b) * r
    qterm = jnp.square(hm_ref[...] * m - tm_ref[...])
    ones = jnp.ones((1, _D2), jnp.float32)
    sp = lax.dot_general(ones, pterm, (((1,), (0,)), ((), ())),
                         preferred_element_type=jnp.float32)
    sq = lax.dot_general(ones, qterm, (((1,), (0,)), ((), ())),
                         preferred_element_type=jnp.float32)
    dm = jnp.sqrt(sq)
    score = -(lam2_ref[0] * dm + lam_ref[0] * sp)
    out_ref[...] = score.reshape(out_ref.shape)


def _score_tc(chunk, g, hmT, tmT, hpT, tpT, lam, lam2):
    grid = (_CB // _TBLK,)
    off = chunk * (_CB // _TBLK)
    col = pl.BlockSpec((_D2, _TBLK), lambda i: (0, i + off))
    return pl.pallas_call(
        _score_body,
        grid=grid,
        in_specs=[
            pl.BlockSpec((_TBLK, _D), lambda i: (i, 0)),
            col, col, col, col,
            pl.BlockSpec(memory_space=pltpu.SMEM),
            pl.BlockSpec(memory_space=pltpu.SMEM),
        ],
        out_specs=pl.BlockSpec((_TBLK // 128, 128), lambda i: (i, 0)),
        out_shape=jax.ShapeDtypeStruct((_CB // 128, 128), jnp.float32),
    )(g, hmT, tmT, hpT, tpT, lam, lam2)


def kernel(h_head_m, h_tail_m, h_head_p, h_tail_p, rels, W, lam, lam2):
    idx = rels.astype(jnp.int32)
    hs = (h_head_m.T, h_tail_m.T, h_head_p.T, h_tail_p.T)
    gs = [_gather_fn(c)(W, idx) for c in range(_NCHUNK)]
    outs = [_score_tc(c, gs[c], *hs, lam, lam2) for c in range(_NCHUNK)]
    if _NCHUNK == 1:
        return outs[0].reshape(_B)
    return jnp.concatenate(outs, axis=0).reshape(_B)

# --- scband reference (transcript-rebuilt; emitter-appended) ---
"""Pipeline reference for scband-hake-7206955123169 (READ-ONLY COPY).

The authoritative reference and input builder live on the scoring server;
editing this copy changes nothing except your own understanding.
"""

import jax, jax.numpy as jnp
import numpy as np

B, D2, V, D = 16384, 64, 100000, 128

def setup_inputs(seed: int = 0):
    key = jax.random.key(seed)
    ks = jax.random.split(key, 8)
    return {
        "h_head_m": jax.random.uniform(ks[0], (B, D2), dtype=jnp.float32),
        "h_tail_m": jax.random.uniform(ks[1], (B, D2), dtype=jnp.float32),
        "h_head_p": jax.random.uniform(ks[2], (B, D2), dtype=jnp.float32),
        "h_tail_p": jax.random.uniform(ks[3], (B, D2), dtype=jnp.float32),
        "rels": jax.random.randint(ks[4], (B,), 0, V, dtype=jnp.int64) if jax.config.jax_enable_x64 else jax.random.randint(ks[4], (B,), 0, V, dtype=jnp.int32),
        "W": jax.random.normal(ks[5], (V, D), dtype=jnp.float32) * 0.05,
        "lam": jnp.ones((1,), dtype=jnp.float32),
        "lam2": jnp.ones((1,), dtype=jnp.float32),
    }

def hake_embed(W, idx):
    # nn.Embedding lookup -> gather rows
    emb = jnp.take(W, idx, axis=0)
    x, y = jnp.split(emb, 2, axis=-1)
    m = jnp.sqrt(jnp.square(x) + jnp.square(y))
    p = jnp.arctan2(y, x) + np.pi
    return jnp.concatenate([m, p], axis=-1)

def reference(h_head_m, h_tail_m, h_head_p, h_tail_p, rels, W, lam, lam2):
    h_rel = hake_embed(W, rels)
    h_rel_m, h_rel_p = jnp.split(h_rel, 2, axis=-1)
    d_m = jnp.linalg.norm(h_head_m * h_rel_m - h_tail_m, ord=2, axis=-1)
    d_p = jnp.sum(jnp.abs(jnp.sin((h_head_p + h_rel_p - h_tail_p) / 2.0)), axis=-1)
    score = -(lam2 * d_m + lam * d_p)
    return score

if __name__ == "__main__":
    import jax
    _d = setup_inputs()
    print(jax.jit(kernel)(*tuple(_d.values())))

</pallas_src>

<mosaic_0001>
#map = affine_map<(d0, d1) -> (0, 0)>
#map1 = affine_map<(d0, d1) -> (0)>
module attributes {stable_mosaic.version = 14 : i64} {
  func.func @gather(%arg0: i32, %arg1: i32, %arg2: memref<100000x128xf32, #tpu.memory_space<hbm>>, %arg3: memref<16384xi32, #tpu.memory_space<hbm>>, %arg4: memref<131072x128xf32, #tpu.memory_space<hbm>>, %arg5: memref<512xi32, #tpu.memory_space<vmem>>, %arg6: memref<512x128xf32, #tpu.memory_space<vmem>>, %arg7: memref<8x!tpu.dma_semaphore, #tpu.memory_space<semaphore_mem>>, %arg8: memref<8x!tpu.dma_semaphore, #tpu.memory_space<semaphore_mem>>) attributes {dimension_semantics = [#tpu.dimension_semantics<core_parallel>, #tpu.dimension_semantics<subcore_parallel>], iteration_bounds = array<i64: 2, 16>, scalar_prefetch = 0 : i64, scratch_operands = 4 : i64, tpu.core_type = #tpu.core_type<sc_vector_subcore>, window_params = [{transform_indices = #map}, {transform_indices = #map1}, {transform_indices = #map}]} {
    %mul3A = arith.constant 2 : i32
    %mul3A_0 = arith.muli %arg1, %mul3A : i32
    %add3A = arith.addi %mul3A_0, %arg0 : i32
    %mul3A_1 = arith.constant 512 : i32
    %mul3A_2 = arith.muli %add3A, %mul3A_1 : i32
    %add3A_3 = arith.constant 0 : i32
    %add3A_4 = arith.addi %add3A_3, %mul3A_2 : i32
    "tpu.region"() ({
      %run_scoped3A = tpu.sem_alloc : memref<!tpu.dma_semaphore, #tpu.memory_space<semaphore_mem>>
      %dma_start3A_403 = tpu.memref_slice %arg3[%add3A_4] : memref<16384xi32, #tpu.memory_space<hbm>> -> memref<512xi32, #tpu.memory_space<hbm>>
      %dma_start3A_404 = tpu.memref_slice %arg3[%add3A_4] : memref<16384xi32, #tpu.memory_space<hbm>> -> memref<512xi32, #tpu.memory_space<hbm>>
      tpu.enqueue_dma source(%dma_start3A_404 : memref<512xi32, #tpu.memory_space<hbm>>) target(%arg5 : memref<512xi32, #tpu.memory_space<vmem>>) target_semaphore(%run_scoped3A : memref<!tpu.dma_semaphore, #tpu.memory_space<semaphore_mem>>)
      %dma_wait3A_405 = tpu.memref_slice %arg3[%add3A_4] : memref<16384xi32, #tpu.memory_space<hbm>> -> memref<512xi32, #tpu.memory_space<hbm>>
      %dma_wait3A_406 = tpu.memref_slice %arg3[%add3A_4] : memref<16384xi32, #tpu.memory_space<hbm>> -> memref<512xi32, #tpu.memory_space<hbm>>
      tpu.wait_dma2 semaphore(%run_scoped3A : memref<!tpu.dma_semaphore, #tpu.memory_space<semaphore_mem>>) src(%dma_wait3A_406 : memref<512xi32, #tpu.memory_space<hbm>>) dst(%arg5 : memref<512xi32, #tpu.memory_space<vmem>>)
      tpu.yield
    }) : () -> ()
    %dma_start3A = arith.constant 0 : i32
    %dma_start3A_5 = arith.constant 0 : i32
    %dma_start3A_6 = arith.constant 0 : i32
    %dma_start3A_7 = tpu.memref_slice %arg6[%dma_start3A_5, %dma_start3A_6] : memref<512x128xf32, #tpu.memory_space<vmem>> -> memref<64x128xf32, #tpu.memory_space<vmem>>
    %dma_start3A_8 = arith.constant 0 : i32
    %dma_start3A_9 = tpu.memref_slice %arg5[%dma_start3A_8] : memref<512xi32, #tpu.memory_space<vmem>> -> memref<64xi32, #tpu.memory_space<vmem>>
    %dma_start3A_10 = arith.constant 0 : i32
    %dma_start3A_11 = arith.constant 0 : i32
    %dma_start3A_12 = tpu.memref_slice %arg2[%dma_start3A_10, %dma_start3A_11] : memref<100000x128xf32, #tpu.memory_space<hbm>> -> memref<100000x128xf32, #tpu.memory_space<hbm>>
    %dma_start3A_13 = tpu.memref_slice %arg7[%dma_start3A] : memref<8x!tpu.dma_semaphore, #tpu.memory_space<semaphore_mem>> -> memref<1x!tpu.dma_semaphore, #tpu.memory_space<semaphore_mem>>
    %dma_start3A_14 = tpu.memref_squeeze %dma_start3A_13 : memref<1x!tpu.dma_semaphore, #tpu.memory_space<semaphore_mem>> -> memref<!tpu.dma_semaphore, #tpu.memory_space<semaphore_mem>>
    tpu.enqueue_indirect_dma source(%dma_start3A_12 : memref<100000x128xf32, #tpu.memory_space<hbm>>) target(%dma_start3A_7 : memref<64x128xf32, #tpu.memory_space<vmem>>) offsets(%dma_start3A_9 : memref<64xi32, #tpu.memory_space<vmem>>) semaphore(%dma_start3A_14 : memref<!tpu.dma_semaphore, #tpu.memory_space<semaphore_mem>>)
    %dma_start3A_15 = arith.constant 1 : i32
    %dma_start3A_16 = arith.constant 64 : i32
    %dma_start3A_17 = arith.constant 0 : i32
    %dma_start3A_18 = tpu.memref_slice %arg6[%dma_start3A_16, %dma_start3A_17] : memref<512x128xf32, #tpu.memory_space<vmem>> -> memref<64x128xf32, #tpu.memory_space<vmem>>
    %dma_start3A_19 = arith.constant 64 : i32
    %dma_start3A_20 = tpu.memref_slice %arg5[%dma_start3A_19] : memref<512xi32, #tpu.memory_space<vmem>> -> memref<64xi32, #tpu.memory_space<vmem>>
    %dma_start3A_21 = arith.constant 0 : i32
    %dma_start3A_22 = arith.constant 0 : i32
    %dma_start3A_23 = tpu.memref_slice %arg2[%dma_start3A_21, %dma_start3A_22] : memref<100000x128xf32, #tpu.memory_space<hbm>> -> memref<100000x128xf32, #tpu.memory_space<hbm>>
    %dma_start3A_24 = tpu.memref_slice %arg7[%dma_start3A_15] : memref<8x!tpu.dma_semaphore, #tpu.memory_space<semaphore_mem>> -> memref<1x!tpu.dma_semaphore, #tpu.memory_space<semaphore_mem>>
    %dma_start3A_25 = tpu.memref_squeeze %dma_start3A_24 : memref<1x!tpu.dma_semaphore, #tpu.memory_space<semaphore_mem>> -> memref<!tpu.dma_semaphore, #tpu.memory_space<semaphore_mem>>
    tpu.enqueue_indirect_dma source(%dma_start3A_23 : memref<100000x128xf32, #tpu.memory_space<hbm>>) target(%dma_start3A_18 : memref<64x128xf32, #tpu.memory_space<vmem>>) offsets(%dma_start3A_20 : memref<64xi32, #tpu.memory_space<vmem>>) semaphore(%dma_start3A_25 : memref<!tpu.dma_semaphore, #tpu.memory_space<semaphore_mem>>)
    %dma_start3A_26 = arith.constant 2 : i32
    %dma_start3A_27 = arith.constant 128 : i32
    %dma_start3A_28 = arith.constant 0 : i32
    %dma_start3A_29 = tpu.memref_slice %arg6[%dma_start3A_27, %dma_start3A_28] : memref<512x128xf32, #tpu.memory_space<vmem>> -> memref<64x128xf32, #tpu.memory_space<vmem>>
    %dma_start3A_30 = arith.constant 128 : i32
    %dma_start3A_31 = tpu.memref_slice %arg5[%dma_start3A_30] : memref<512xi32, #tpu.memory_space<vmem>> -> memref<64xi32, #tpu.memory_space<vmem>>
    %dma_start3A_32 = arith.constant 0 : i32
    %dma_start3A_33 = arith.constant 0 : i32
    %dma_start3A_34 = tpu.memref_slice %arg2[%dma_start3A_32, %dma_start3A_33] : memref<100000x128xf32, #tpu.memory_space<hbm>> -> memref<100000x128xf32, #tpu.memory_space<hbm>>
    %dma_start3A_35 = tpu.memref_slice %arg7[%dma_start3A_26] : memref<8x!tpu.dma_semaphore, #tpu.memory_space<semaphore_mem>> -> memref<1x!tpu.dma_semaphore, #tpu.memory_space<semaphore_mem>>
    %dma_start3A_36 = tpu.memref_squeeze %dma_start3A_35 : memref<1x!tpu.dma_semaphore, #tpu.memory_space<semaphore_mem>> -> memref<!tpu.dma_semaphore, #tpu.memory_space<semaphore_mem>>
    tpu.enqueue_indirect_dma source(%dma_start3A_34 : memref<100000x128xf32, #tpu.memory_space<hbm>>) target(%dma_start3A_29 : memref<64x128xf32, #tpu.memory_space<vmem>>) offsets(%dma_start3A_31 : memref<64xi32, #tpu.memory_space<vmem>>) semaphore(%dma_start3A_36 : memref<!tpu.dma_semaphore, #tpu.memory_space<semaphore_mem>>)
    %dma_start3A_37 = arith.constant 3 : i32
    %dma_start3A_38 = arith.constant 192 : i32
    %dma_start3A_39 = arith.constant 0 : i32
    %dma_start3A_40 = tpu.memref_slice %arg6[%dma_start3A_38, %dma_start3A_39] : memref<512x128xf32, #tpu.memory_space<vmem>> -> memref<64x128xf32, #tpu.memory_space<vmem>>
    %dma_start3A_41 = arith.constant 192 : i32
    %dma_start3A_42 = tpu.memref_slice %arg5[%dma_start3A_41] : memref<512xi32, #tpu.memory_space<vmem>> -> memref<64xi32, #tpu.memory_space<vmem>>
    %dma_start3A_43 = arith.constant 0 : i32
    %dma_start3A_44 = arith.constant 0 : i32
    %dma_start3A_45 = tpu.memref_slice %arg2[%dma_start3A_43, %dma_start3A_44] : memref<100000x128xf32, #tpu.memory_space<hbm>> -> memref<100000x128xf32, #tpu.memory_space<hbm>>
    %dma_start3A_46 = tpu.memref_slice %arg7[%dma_start3A_37] : memref<8x!tpu.dma_semaphore, #tpu.memory_space<semaphore_mem>> -> memref<1x!tpu.dma_semaphore, #tpu.memory_space<semaphore_mem>>
    %dma_start3A_47 = tpu.memref_squeeze %dma_start3A_46 : memref<1x!tpu.dma_semaphore, #tpu.memory_space<semaphore_mem>> -> memref<!tpu.dma_semaphore, #tpu.memory_space<semaphore_mem>>
    tpu.enqueue_indirect_dma source(%dma_start3A_45 : memref<100000x128xf32, #tpu.memory_space<hbm>>) target(%dma_start3A_40 : memref<64x128xf32, #tpu.memory_space<vmem>>) offsets(%dma_start3A_42 : memref<64xi32, #tpu.memory_space<vmem>>) semaphore(%dma_start3A_47 : memref<!tpu.dma_semaphore, #tpu.memory_space<semaphore_mem>>)
    %dma_start3A_48 = arith.constant 4 : i32
    %dma_start3A_49 = arith.constant 256 : i32
    %dma_start3A_50 = arith.constant 0 : i32
    %dma_start3A_51 = tpu.memref_slice %arg6[%dma_start3A_49, %dma_start3A_50] : memref<512x128xf32, #tpu.memory_space<vmem>> -> memref<64x128xf32, #tpu.memory_space<vmem>>
    %dma_start3A_52 = arith.constant 256 : i32
    %dma_start3A_53 = tpu.memref_slice %arg5[%dma_start3A_52] : memref<512xi32, #tpu.memory_space<vmem>> -> memref<64xi32, #tpu.memory_space<vmem>>
    %dma_start3A_54 = arith.constant 0 : i32
    %dma_start3A_55 = arith.constant 0 : i32
    %dma_start3A_56 = tpu.memref_slice %arg2[%dma_start3A_54, %dma_start3A_55] : memref<100000x128xf32, #tpu.memory_space<hbm>> -> memref<100000x128xf32, #tpu.memory_space<hbm>>
    %dma_start3A_57 = tpu.memref_slice %arg7[%dma_start3A_48] : memref<8x!tpu.dma_semaphore, #tpu.memory_space<semaphore_mem>> -> memref<1x!tpu.dma_semaphore, #tpu.memory_space<semaphore_mem>>
    %dma_start3A_58 = tpu.memref_squeeze %dma_start3A_57 : memref<1x!tpu.dma_semaphore, #tpu.memory_space<semaphore_mem>> -> memref<!tpu.dma_semaphore, #tpu.memory_space<semaphore_mem>>
    tpu.enqueue_indirect_dma source(%dma_start3A_56 : memref<100000x128xf32, #tpu.memory_space<hbm>>) target(%dma_start3A_51 : memref<64x128xf32, #tpu.memory_space<vmem>>) offsets(%dma_start3A_53 : memref<64xi32, #tpu.memory_space<vmem>>) semaphore(%dma_start3A_58 : memref<!tpu.dma_semaphore, #tpu.memory_space<semaphore_mem>>)
    %dma_start3A_59 = arith.constant 5 : i32
    %dma_start3A_60 = arith.constant 320 : i32
    %dma_start3A_61 = arith.constant 0 : i32
    %dma_start3A_62 = tpu.memref_slice %arg6[%dma_start3A_60, %dma_start3A_61] : memref<512x128xf32, #tpu.memory_space<vmem>> -> memref<64x128xf32, #tpu.memory_space<vmem>>
    %dma_start3A_63 = arith.constant 320 : i32
    %dma_start3A_64 = tpu.memref_slice %arg5[%dma_start3A_63] : memref<512xi32, #tpu.memory_space<vmem>> -> memref<64xi32, #tpu.memory_space<vmem>>
    %dma_start3A_65 = arith.constant 0 : i32
    %dma_start3A_66 = arith.constant 0 : i32
    %dma_start3A_67 = tpu.memref_slice %arg2[%dma_start3A_65, %dma_start3A_66] : memref<100000x128xf32, #tpu.memory_space<hbm>> -> memref<100000x128xf32, #tpu.memory_space<hbm>>
    %dma_start3A_68 = tpu.memref_slice %arg7[%dma_start3A_59] : memref<8x!tpu.dma_semaphore, #tpu.memory_space<semaphore_mem>> -> memref<1x!tpu.dma_semaphore, #tpu.memory_space<semaphore_mem>>
    %dma_start3A_69 = tpu.memref_squeeze %dma_start3A_68 : memref<1x!tpu.dma_semaphore, #tpu.memory_space<semaphore_mem>> -> memref<!tpu.dma_semaphore, #tpu.memory_space<semaphore_mem>>
    tpu.enqueue_indirect_dma source(%dma_start3A_67 : memref<100000x128xf32, #tpu.memory_space<hbm>>) target(%dma_start3A_62 : memref<64x128xf32, #tpu.memory_space<vmem>>) offsets(%dma_start3A_64 : memref<64xi32, #tpu.memory_space<vmem>>) semaphore(%dma_start3A_69 : memref<!tpu.dma_semaphore, #tpu.memory_space<semaphore_mem>>)
    %dma_start3A_70 = arith.constant 6 : i32
    %dma_start3A_71 = arith.constant 384 : i32
    %dma_start3A_72 = arith.constant 0 : i32
    %dma_start3A_73 = tpu.memref_slice %arg6[%dma_start3A_71, %dma_start3A_72] : memref<512x128xf32, #tpu.memory_space<vmem>> -> memref<64x128xf32, #tpu.memory_space<vmem>>
    %dma_start3A_74 = arith.constant 384 : i32
    %dma_start3A_75 = tpu.memref_slice %arg5[%dma_start3A_74] : memref<512xi32, #tpu.memory_space<vmem>> -> memref<64xi32, #tpu.memory_space<vmem>>
    %dma_start3A_76 = arith.constant 0 : i32
    %dma_start3A_77 = arith.constant 0 : i32
    %dma_start3A_78 = tpu.memref_slice %arg2[%dma_start3A_76, %dma_start3A_77] : memref<100000x128xf32, #tpu.memory_space<hbm>> -> memref<100000x128xf32, #tpu.memory_space<hbm>>
    %dma_start3A_79 = tpu.memref_slice %arg7[%dma_start3A_70] : memref<8x!tpu.dma_semaphore, #tpu.memory_space<semaphore_mem>> -> memref<1x!tpu.dma_semaphore, #tpu.memory_space<semaphore_mem>>
    %dma_start3A_80 = tpu.memref_squeeze %dma_start3A_79 : memref<1x!tpu.dma_semaphore, #tpu.memory_space<semaphore_mem>> -> memref<!tpu.dma_semaphore, #tpu.memory_space<semaphore_mem>>
    tpu.enqueue_indirect_dma source(%dma_start3A_78 : memref<100000x128xf32, #tpu.memory_space<hbm>>) target(%dma_start3A_73 : memref<64x128xf32, #tpu.memory_space<vmem>>) offsets(%dma_start3A_75 : memref<64xi32, #tpu.memory_space<vmem>>) semaphore(%dma_start3A_80 : memref<!tpu.dma_semaphore, #tpu.memory_space<semaphore_mem>>)
    %dma_start3A_81 = arith.constant 7 : i32
    %dma_start3A_82 = arith.constant 448 : i32
    %dma_start3A_83 = arith.constant 0 : i32
    %dma_start3A_84 = tpu.memref_slice %arg6[%dma_start3A_82, %dma_start3A_83] : memref<512x128xf32, #tpu.memory_space<vmem>> -> memref<64x128xf32, #tpu.memory_space<vmem>>
    %dma_start3A_85 = arith.constant 448 : i32
    %dma_start3A_86 = tpu.memref_slice %arg5[%dma_start3A_85] : memref<512xi32, #tpu.memory_space<vmem>> -> memref<64xi32, #tpu.memory_space<vmem>>
    %dma_start3A_87 = arith.constant 0 : i32
    %dma_start3A_88 = arith.constant 0 : i32
    %dma_start3A_89 = tpu.memref_slice %arg2[%dma_start3A_87, %dma_start3A_88] : memref<100000x128xf32, #tpu.memory_space<hbm>> -> memref<100000x128xf32, #tpu.memory_space<hbm>>
    %dma_start3A_90 = tpu.memref_slice %arg7[%dma_start3A_81] : memref<8x!tpu.dma_semaphore, #tpu.memory_space<semaphore_mem>> -> memref<1x!tpu.dma_semaphore, #tpu.memory_space<semaphore_mem>>
    %dma_start3A_91 = tpu.memref_squeeze %dma_start3A_90 : memref<1x!tpu.dma_semaphore, #tpu.memory_space<semaphore_mem>> -> memref<!tpu.dma_semaphore, #tpu.memory_space<semaphore_mem>>
    tpu.enqueue_indirect_dma source(%dma_start3A_89 : memref<100000x128xf32, #tpu.memory_space<hbm>>) target(%dma_start3A_84 : memref<64x128xf32, #tpu.memory_space<vmem>>) offsets(%dma_start3A_86 : memref<64xi32, #tpu.memory_space<vmem>>) semaphore(%dma_start3A_91 : memref<!tpu.dma_semaphore, #tpu.memory_space<semaphore_mem>>)
    %dma_wait3A = arith.constant 0 : i32
    %dma_wait3A_92 = arith.constant 0 : i32
    %dma_wait3A_93 = arith.constant 0 : i32
    %dma_wait3A_94 = tpu.memref_slice %arg6[%dma_wait3A_92, %dma_wait3A_93] : memref<512x128xf32, #tpu.memory_space<vmem>> -> memref<64x128xf32, #tpu.memory_space<vmem>>
    %dma_wait3A_95 = arith.constant 0 : i32
    %dma_wait3A_96 = tpu.memref_slice %arg5[%dma_wait3A_95] : memref<512xi32, #tpu.memory_space<vmem>> -> memref<64xi32, #tpu.memory_space<vmem>>
    %dma_wait3A_97 = arith.constant 0 : i32
    %dma_wait3A_98 = arith.constant 0 : i32
    %dma_wait3A_99 = tpu.memref_slice %arg2[%dma_wait3A_97, %dma_wait3A_98] : memref<100000x128xf32, #tpu.memory_space<hbm>> -> memref<100000x128xf32, #tpu.memory_space<hbm>>
    %dma_wait3A_100 = tpu.memref_slice %arg7[%dma_wait3A] : memref<8x!tpu.dma_semaphore, #tpu.memory_space<semaphore_mem>> -> memref<1x!tpu.dma_semaphore, #tpu.memory_space<semaphore_mem>>
    %dma_wait3A_101 = tpu.memref_squeeze %dma_wait3A_100 : memref<1x!tpu.dma_semaphore, #tpu.memory_space<semaphore_mem>> -> memref<!tpu.dma_semaphore, #tpu.memory_space<semaphore_mem>>
    tpu.wait_indirect_dma semaphore(%dma_wait3A_101 : memref<!tpu.dma_semaphore, #tpu.memory_space<semaphore_mem>>) src(%dma_wait3A_99 : memref<100000x128xf32, #tpu.memory_space<hbm>>) dst(%dma_wait3A_94 : memref<64x128xf32, #tpu.memory_space<vmem>>)
    %add3A_102 = arith.constant 0 : i32
    %add3A_103 = arith.addi %mul3A_2, %add3A_102 : i32
    %dma_start3A_104 = arith.constant 0 : i32
    %dma_start3A_105 = arith.constant 0 : i32
    %dma_start3A_106 = arith.constant 0 : i32
    %dma_start3A_107 = tpu.memref_slice %arg6[%dma_start3A_105, %dma_start3A_106] : memref<512x128xf32, #tpu.memory_space<vmem>> -> memref<64x128xf32, #tpu.memory_space<vmem>>
    %dma_start3A_108 = arith.constant 0 : i32
    %dma_start3A_109 = tpu.memref_slice %arg4[%add3A_103, %dma_start3A_108] : memref<131072x128xf32, #tpu.memory_space<hbm>> -> memref<64x128xf32, #tpu.memory_space<hbm>>
    %dma_start3A_110 = tpu.memref_slice %arg8[%dma_start3A_104] : memref<8x!tpu.dma_semaphore, #tpu.memory_space<semaphore_mem>> -> memref<1x!tpu.dma_semaphore, #tpu.memory_space<semaphore_mem>>
    %dma_start3A_111 = tpu.memref_squeeze %dma_start3A_110 : memref<1x!tpu.dma_semaphore, #tpu.memory_space<semaphore_mem>> -> memref<!tpu.dma_semaphore, #tpu.memory_space<semaphore_mem>>
    %dma_start3A_112 = arith.constant 0 : i32
    %dma_start3A_113 = tpu.memref_slice %arg4[%add3A_103, %dma_start3A_112] : memref<131072x128xf32, #tpu.memory_space<hbm>> -> memref<64x128xf32, #tpu.memory_space<hbm>>
    %dma_start3A_114 = arith.constant 0 : i32
    %dma_start3A_115 = arith.constant 0 : i32
    %dma_start3A_116 = tpu.memref_slice %arg6[%dma_start3A_114, %dma_start3A_115] : memref<512x128xf32, #tpu.memory_space<vmem>> -> memref<64x128xf32, #tpu.memory_space<vmem>>
    tpu.enqueue_dma source(%dma_start3A_116 : memref<64x128xf32, #tpu.memory_space<vmem>>) target(%dma_start3A_113 : memref<64x128xf32, #tpu.memory_space<hbm>>) target_semaphore(%dma_start3A_111 : memref<!tpu.dma_semaphore, #tpu.memory_space<semaphore_mem>>)
    %dma_wait3A_117 = arith.constant 1 : i32
    %dma_wait3A_118 = arith.constant 64 : i32
    %dma_wait3A_119 = arith.constant 0 : i32
    %dma_wait3A_120 = tpu.memref_slice %arg6[%dma_wait3A_118, %dma_wait3A_119] : memref<512x128xf32, #tpu.memory_space<vmem>> -> memref<64x128xf32, #tpu.memory_space<vmem>>
    %dma_wait3A_121 = arith.constant 64 : i32
    %dma_wait3A_122 = tpu.memref_slice %arg5[%dma_wait3A_121] : memref<512xi32, #tpu.memory_space<vmem>> -> memref<64xi32, #tpu.memory_space<vmem>>
    %dma_wait3A_123 = arith.constant 0 : i32
    %dma_wait3A_124 = arith.constant 0 : i32
    %dma_wait3A_125 = tpu.memref_slice %arg2[%dma_wait3A_123, %dma_wait3A_124] : memref<100000x128xf32, #tpu.memory_space<hbm>> -> memref<100000x128xf32, #tpu.memory_space<hbm>>
    %dma_wait3A_126 = tpu.memref_slice %arg7[%dma_wait3A_117] : memref<8x!tpu.dma_semaphore, #tpu.memory_space<semaphore_mem>> -> memref<1x!tpu.dma_semaphore, #tpu.memory_space<semaphore_mem>>
    %dma_wait3A_127 = tpu.memref_squeeze %dma_wait3A_126 : memref<1x!tpu.dma_semaphore, #tpu.memory_space<semaphore_mem>> -> memref<!tpu.dma_semaphore, #tpu.memory_space<semaphore_mem>>
    tpu.wait_indirect_dma semaphore(%dma_wait3A_127 : memref<!tpu.dma_semaphore, #tpu.memory_space<semaphore_mem>>) src(%dma_wait3A_125 : memref<100000x128xf32, #tpu.memory_space<hbm>>) dst(%dma_wait3A_120 : memref<64x128xf32, #tpu.memory_space<vmem>>)
    %add3A_128 = arith.constant 64 : i32
    %add3A_129 = arith.addi %mul3A_2, %add3A_128 : i32
    %dma_start3A_130 = arith.constant 1 : i32
    %dma_start3A_131 = arith.constant 64 : i32
    %dma_start3A_132 = arith.constant 0 : i32
    %dma_start3A_133 = tpu.memref_slice %arg6[%dma_start3A_131, %dma_start3A_132] : memref<512x128xf32, #tpu.memory_space<vmem>> -> memref<64x128xf32, #tpu.memory_space<vmem>>
    %dma_start3A_134 = arith.constant 0 : i32
    %dma_start3A_135 = tpu.memref_slice %arg4[%add3A_129, %dma_start3A_134] : memref<131072x128xf32, #tpu.memory_space<hbm>> -> memref<64x128xf32, #tpu.memory_space<hbm>>
    %dma_start3A_136 = tpu.memref_slice %arg8[%dma_start3A_130] : memref<8x!tpu.dma_semaphore, #tpu.memory_space<semaphore_mem>> -> memref<1x!tpu.dma_semaphore, #tpu.memory_space<semaphore_mem>>
    %dma_start3A_137 = tpu.memref_squeeze %dma_start3A_136 : memref<1x!tpu.dma_semaphore, #tpu.memory_space<semaphore_mem>> -> memref<!tpu.dma_semaphore, #tpu.memory_space<semaphore_mem>>
    %dma_start3A_138 = arith.constant 0 : i32
    %dma_start3A_139 = tpu.memref_slice %arg4[%add3A_129, %dma_start3A_138] : memref<131072x128xf32, #tpu.memory_space<hbm>> -> memref<64x128xf32, #tpu.memory_space<hbm>>
    %dma_start3A_140 = arith.constant 64 : i32
    %dma_start3A_141 = arith.constant 0 : i32
    %dma_start3A_142 = tpu.memref_slice %arg6[%dma_start3A_140, %dma_start3A_141] : memref<512x128xf32, #tpu.memory_space<vmem>> -> memref<64x128xf32, #tpu.memory_space<vmem>>
    tpu.enqueue_dma source(%dma_start3A_142 : memref<64x128xf32, #tpu.memory_space<vmem>>) target(%dma_start3A_139 : memref<64x128xf32, #tpu.memory_space<hbm>>) target_semaphore(%dma_start3A_137 : memref<!tpu.dma_semaphore, #tpu.memory_space<semaphore_mem>>)
    %dma_wait3A_143 = arith.constant 2 : i32
    %dma_wait3A_144 = arith.constant 128 : i32
    %dma_wait3A_145 = arith.constant 0 : i32
    %dma_wait3A_146 = tpu.memref_slice %arg6[%dma_wait3A_144, %dma_wait3A_145] : memref<512x128xf32, #tpu.memory_space<vmem>> -> memref<64x128xf32, #tpu.memory_space<vmem>>
    %dma_wait3A_147 = arith.constant 128 : i32
    %dma_wait3A_148 = tpu.memref_slice %arg5[%dma_wait3A_147] : memref<512xi32, #tpu.memory_space<vmem>> -> memref<64xi32, #tpu.memory_space<vmem>>
    %dma_wait3A_149 = arith.constant 0 : i32
    %dma_wait3A_150 = arith.constant 0 : i32
    %dma_wait3A_151 = tpu.memref_slice %arg2[%dma_wait3A_149, %dma_wait3A_150] : memref<100000x128xf32, #tpu.memory_space<hbm>> -> memref<100000x128xf32, #tpu.memory_space<hbm>>
    %dma_wait3A_152 = tpu.memref_slice %arg7[%dma_wait3A_143] : memref<8x!tpu.dma_semaphore, #tpu.memory_space<semaphore_mem>> -> memref<1x!tpu.dma_semaphore, #tpu.memory_space<semaphore_mem>>
    %dma_wait3A_153 = tpu.memref_squeeze %dma_wait3A_152 : memref<1x!tpu.dma_semaphore, #tpu.memory_space<semaphore_mem>> -> memref<!tpu.dma_semaphore, #tpu.memory_space<semaphore_mem>>
    tpu.wait_indirect_dma semaphore(%dma_wait3A_153 : memref<!tpu.dma_semaphore, #tpu.memory_space<semaphore_mem>>) src(%dma_wait3A_151 : memref<100000x128xf32, #tpu.memory_space<hbm>>) dst(%dma_wait3A_146 : memref<64x128xf32, #tpu.memory_space<vmem>>)
    %add3A_154 = arith.constant 128 : i32
    %add3A_155 = arith.addi %mul3A_2, %add3A_154 : i32
    %dma_start3A_156 = arith.constant 2 : i32
    %dma_start3A_157 = arith.constant 128 : i32
    %dma_start3A_158 = arith.constant 0 : i32
    %dma_start3A_159 = tpu.memref_slice %arg6[%dma_start3A_157, %dma_start3A_158] : memref<512x128xf32, #tpu.memory_space<vmem>> -> memref<64x128xf32, #tpu.memory_space<vmem>>
    %dma_start3A_160 = arith.constant 0 : i32
    %dma_start3A_161 = tpu.memref_slice %arg4[%add3A_155, %dma_start3A_160] : memref<131072x128xf32, #tpu.memory_space<hbm>> -> memref<64x128xf32, #tpu.memory_space<hbm>>
    %dma_start3A_162 = tpu.memref_slice %arg8[%dma_start3A_156] : memref<8x!tpu.dma_semaphore, #tpu.memory_space<semaphore_mem>> -> memref<1x!tpu.dma_semaphore, #tpu.memory_space<semaphore_mem>>
    %dma_start3A_163 = tpu.memref_squeeze %dma_start3A_162 : memref<1x!tpu.dma_semaphore, #tpu.memory_space<semaphore_mem>> -> memref<!tpu.dma_semaphore, #tpu.memory_space<semaphore_mem>>
    %dma_start3A_164 = arith.constant 0 : i32
    %dma_start3A_165 = tpu.memref_slice %arg4[%add3A_155, %dma_start3A_164] : memref<131072x128xf32, #tpu.memory_space<hbm>> -> memref<64x128xf32, #tpu.memory_space<hbm>>
    %dma_start3A_166 = arith.constant 128 : i32
    %dma_start3A_167 = arith.constant 0 : i32
    %dma_start3A_168 = tpu.memref_slice %arg6[%dma_start3A_166, %dma_start3A_167] : memref<512x128xf32, #tpu.memory_space<vmem>> -> memref<64x128xf32, #tpu.memory_space<vmem>>
    tpu.enqueue_dma source(%dma_start3A_168 : memref<64x128xf32, #tpu.memory_space<vmem>>) target(%dma_start3A_165 : memref<64x128xf32, #tpu.memory_space<hbm>>) target_semaphore(%dma_start3A_163 : memref<!tpu.dma_semaphore, #tpu.memory_space<semaphore_mem>>)
    %dma_wait3A_169 = arith.constant 3 : i32
    %dma_wait3A_170 = arith.constant 192 : i32
    %dma_wait3A_171 = arith.constant 0 : i32
    %dma_wait3A_172 = tpu.memref_slice %arg6[%dma_wait3A_170, %dma_wait3A_171] : memref<512x128xf32, #tpu.memory_space<vmem>> -> memref<64x128xf32, #tpu.memory_space<vmem>>
    %dma_wait3A_173 = arith.constant 192 : i32
    %dma_wait3A_174 = tpu.memref_slice %arg5[%dma_wait3A_173] : memref<512xi32, #tpu.memory_space<vmem>> -> memref<64xi32, #tpu.memory_space<vmem>>
    %dma_wait3A_175 = arith.constant 0 : i32
    %dma_wait3A_176 = arith.constant 0 : i32
    %dma_wait3A_177 = tpu.memref_slice %arg2[%dma_wait3A_175, %dma_wait3A_176] : memref<100000x128xf32, #tpu.memory_space<hbm>> -> memref<100000x128xf32, #tpu.memory_space<hbm>>
    %dma_wait3A_178 = tpu.memref_slice %arg7[%dma_wait3A_169] : memref<8x!tpu.dma_semaphore, #tpu.memory_space<semaphore_mem>> -> memref<1x!tpu.dma_semaphore, #tpu.memory_space<semaphore_mem>>
    %dma_wait3A_179 = tpu.memref_squeeze %dma_wait3A_178 : memref<1x!tpu.dma_semaphore, #tpu.memory_space<semaphore_mem>> -> memref<!tpu.dma_semaphore, #tpu.memory_space<semaphore_mem>>
    tpu.wait_indirect_dma semaphore(%dma_wait3A_179 : memref<!tpu.dma_semaphore, #tpu.memory_space<semaphore_mem>>) src(%dma_wait3A_177 : memref<100000x128xf32, #tpu.memory_space<hbm>>) dst(%dma_wait3A_172 : memref<64x128xf32, #tpu.memory_space<vmem>>)
    %add3A_180 = arith.constant 192 : i32
    %add3A_181 = arith.addi %mul3A_2, %add3A_180 : i32
    %dma_start3A_182 = arith.constant 3 : i32
    %dma_start3A_183 = arith.constant 192 : i32
    %dma_start3A_184 = arith.constant 0 : i32
    %dma_start3A_185 = tpu.memref_slice %arg6[%dma_start3A_183, %dma_start3A_184] : memref<512x128xf32, #tpu.memory_space<vmem>> -> memref<64x128xf32, #tpu.memory_space<vmem>>
    %dma_start3A_186 = arith.constant 0 : i32
    %dma_start3A_187 = tpu.memref_slice %arg4[%add3A_181, %dma_start3A_186] : memref<131072x128xf32, #tpu.memory_space<hbm>> -> memref<64x128xf32, #tpu.memory_space<hbm>>
    %dma_start3A_188 = tpu.memref_slice %arg8[%dma_start3A_182] : memref<8x!tpu.dma_semaphore, #tpu.memory_space<semaphore_mem>> -> memref<1x!tpu.dma_semaphore, #tpu.memory_space<semaphore_mem>>
    %dma_start3A_189 = tpu.memref_squeeze %dma_start3A_188 : memref<1x!tpu.dma_semaphore, #tpu.memory_space<semaphore_mem>> -> memref<!tpu.dma_semaphore, #tpu.memory_space<semaphore_mem>>
    %dma_start3A_190 = arith.constant 0 : i32
    %dma_start3A_191 = tpu.memref_slice %arg4[%add3A_181, %dma_start3A_190] : memref<131072x128xf32, #tpu.memory_space<hbm>> -> memref<64x128xf32, #tpu.memory_space<hbm>>
    %dma_start3A_192 = arith.constant 192 : i32
    %dma_start3A_193 = arith.constant 0 : i32
    %dma_start3A_194 = tpu.memref_slice %arg6[%dma_start3A_192, %dma_start3A_193] : memref<512x128xf32, #tpu.memory_space<vmem>> -> memref<64x128xf32, #tpu.memory_space<vmem>>
    tpu.enqueue_dma source(%dma_start3A_194 : memref<64x128xf32, #tpu.memory_space<vmem>>) target(%dma_start3A_191 : memref<64x128xf32, #tpu.memory_space<hbm>>) target_semaphore(%dma_start3A_189 : memref<!tpu.dma_semaphore, #tpu.memory_space<semaphore_mem>>)
    %dma_wait3A_195 = arith.constant 4 : i32
    %dma_wait3A_196 = arith.constant 256 : i32
    %dma_wait3A_197 = arith.constant 0 : i32
    %dma_wait3A_198 = tpu.memref_slice %arg6[%dma_wait3A_196, %dma_wait3A_197] : memref<512x128xf32, #tpu.memory_space<vmem>> -> memref<64x128xf32, #tpu.memory_space<vmem>>
    %dma_wait3A_199 = arith.constant 256 : i32
    %dma_wait3A_200 = tpu.memref_slice %arg5[%dma_wait3A_199] : memref<512xi32, #tpu.memory_space<vmem>> -> memref<64xi32, #tpu.memory_space<vmem>>
    %dma_wait3A_201 = arith.constant 0 : i32
    %dma_wait3A_202 = arith.constant 0 : i32
    %dma_wait3A_203 = tpu.memref_slice %arg2[%dma_wait3A_201, %dma_wait3A_202] : memref<100000x128xf32, #tpu.memory_space<hbm>> -> memref<100000x128xf32, #tpu.memory_space<hbm>>
    %dma_wait3A_204 = tpu.memref_slice %arg7[%dma_wait3A_195] : memref<8x!tpu.dma_semaphore, #tpu.memory_space<semaphore_mem>> -> memref<1x!tpu.dma_semaphore, #tpu.memory_space<semaphore_mem>>
    %dma_wait3A_205 = tpu.memref_squeeze %dma_wait3A_204 : memref<1x!tpu.dma_semaphore, #tpu.memory_space<semaphore_mem>> -> memref<!tpu.dma_semaphore, #tpu.memory_space<semaphore_mem>>
    tpu.wait_indirect_dma semaphore(%dma_wait3A_205 : memref<!tpu.dma_semaphore, #tpu.memory_space<semaphore_mem>>) src(%dma_wait3A_203 : memref<100000x128xf32, #tpu.memory_space<hbm>>) dst(%dma_wait3A_198 : memref<64x128xf32, #tpu.memory_space<vmem>>)
    %add3A_206 = arith.constant 256 : i32
    %add3A_207 = arith.addi %mul3A_2, %add3A_206 : i32
    %dma_start3A_208 = arith.constant 4 : i32
    %dma_start3A_209 = arith.constant 256 : i32
    %dma_start3A_210 = arith.constant 0 : i32
    %dma_start3A_211 = tpu.memref_slice %arg6[%dma_start3A_209, %dma_start3A_210] : memref<512x128xf32, #tpu.memory_space<vmem>> -> memref<64x128xf32, #tpu.memory_space<vmem>>
    %dma_start3A_212 = arith.constant 0 : i32
    %dma_start3A_213 = tpu.memref_slice %arg4[%add3A_207, %dma_start3A_212] : memref<131072x128xf32, #tpu.memory_space<hbm>> -> memref<64x128xf32, #tpu.memory_space<hbm>>
    %dma_start3A_214 = tpu.memref_slice %arg8[%dma_start3A_208] : memref<8x!tpu.dma_semaphore, #tpu.memory_space<semaphore_mem>> -> memref<1x!tpu.dma_semaphore, #tpu.memory_space<semaphore_mem>>
    %dma_start3A_215 = tpu.memref_squeeze %dma_start3A_214 : memref<1x!tpu.dma_semaphore, #tpu.memory_space<semaphore_mem>> -> memref<!tpu.dma_semaphore, #tpu.memory_space<semaphore_mem>>
    %dma_start3A_216 = arith.constant 0 : i32
    %dma_start3A_217 = tpu.memref_slice %arg4[%add3A_207, %dma_start3A_216] : memref<131072x128xf32, #tpu.memory_space<hbm>> -> memref<64x128xf32, #tpu.memory_space<hbm>>
    %dma_start3A_218 = arith.constant 256 : i32
    %dma_start3A_219 = arith.constant 0 : i32
    %dma_start3A_220 = tpu.memref_slice %arg6[%dma_start3A_218, %dma_start3A_219] : memref<512x128xf32, #tpu.memory_space<vmem>> -> memref<64x128xf32, #tpu.memory_space<vmem>>
    tpu.enqueue_dma source(%dma_start3A_220 : memref<64x128xf32, #tpu.memory_space<vmem>>) target(%dma_start3A_217 : memref<64x128xf32, #tpu.memory_space<hbm>>) target_semaphore(%dma_start3A_215 : memref<!tpu.dma_semaphore, #tpu.memory_space<semaphore_mem>>)
    %dma_wait3A_221 = arith.constant 5 : i32
    %dma_wait3A_222 = arith.constant 320 : i32
    %dma_wait3A_223 = arith.constant 0 : i32
    %dma_wait3A_224 = tpu.memref_slice %arg6[%dma_wait3A_222, %dma_wait3A_223] : memref<512x128xf32, #tpu.memory_space<vmem>> -> memref<64x128xf32, #tpu.memory_space<vmem>>
    %dma_wait3A_225 = arith.constant 320 : i32
    %dma_wait3A_226 = tpu.memref_slice %arg5[%dma_wait3A_225] : memref<512xi32, #tpu.memory_space<vmem>> -> memref<64xi32, #tpu.memory_space<vmem>>
    %dma_wait3A_227 = arith.constant 0 : i32
    %dma_wait3A_228 = arith.constant 0 : i32
    %dma_wait3A_229 = tpu.memref_slice %arg2[%dma_wait3A_227, %dma_wait3A_228] : memref<100000x128xf32, #tpu.memory_space<hbm>> -> memref<100000x128xf32, #tpu.memory_space<hbm>>
    %dma_wait3A_230 = tpu.memref_slice %arg7[%dma_wait3A_221] : memref<8x!tpu.dma_semaphore, #tpu.memory_space<semaphore_mem>> -> memref<1x!tpu.dma_semaphore, #tpu.memory_space<semaphore_mem>>
    %dma_wait3A_231 = tpu.memref_squeeze %dma_wait3A_230 : memref<1x!tpu.dma_semaphore, #tpu.memory_space<semaphore_mem>> -> memref<!tpu.dma_semaphore, #tpu.memory_space<semaphore_mem>>
    tpu.wait_indirect_dma semaphore(%dma_wait3A_231 : memref<!tpu.dma_semaphore, #tpu.memory_space<semaphore_mem>>) src(%dma_wait3A_229 : memref<100000x128xf32, #tpu.memory_space<hbm>>) dst(%dma_wait3A_224 : memref<64x128xf32, #tpu.memory_space<vmem>>)
    %add3A_232 = arith.constant 320 : i32
    %add3A_233 = arith.addi %mul3A_2, %add3A_232 : i32
    %dma_start3A_234 = arith.constant 5 : i32
    %dma_start3A_235 = arith.constant 320 : i32
    %dma_start3A_236 = arith.constant 0 : i32
    %dma_start3A_237 = tpu.memref_slice %arg6[%dma_start3A_235, %dma_start3A_236] : memref<512x128xf32, #tpu.memory_space<vmem>> -> memref<64x128xf32, #tpu.memory_space<vmem>>
    %dma_start3A_238 = arith.constant 0 : i32
    %dma_start3A_239 = tpu.memref_slice %arg4[%add3A_233, %dma_start3A_238] : memref<131072x128xf32, #tpu.memory_space<hbm>> -> memref<64x128xf32, #tpu.memory_space<hbm>>
    %dma_start3A_240 = tpu.memref_slice %arg8[%dma_start3A_234] : memref<8x!tpu.dma_semaphore, #tpu.memory_space<semaphore_mem>> -> memref<1x!tpu.dma_semaphore, #tpu.memory_space<semaphore_mem>>
    %dma_start3A_241 = tpu.memref_squeeze %dma_start3A_240 : memref<1x!tpu.dma_semaphore, #tpu.memory_space<semaphore_mem>> -> memref<!tpu.dma_semaphore, #tpu.memory_space<semaphore_mem>>
    %dma_start3A_242 = arith.constant 0 : i32
    %dma_start3A_243 = tpu.memref_slice %arg4[%add3A_233, %dma_start3A_242] : memref<131072x128xf32, #tpu.memory_space<hbm>> -> memref<64x128xf32, #tpu.memory_space<hbm>>
    %dma_start3A_244 = arith.constant 320 : i32
    %dma_start3A_245 = arith.constant 0 : i32
    %dma_start3A_246 = tpu.memref_slice %arg6[%dma_start3A_244, %dma_start3A_245] : memref<512x128xf32, #tpu.memory_space<vmem>> -> memref<64x128xf32, #tpu.memory_space<vmem>>
    tpu.enqueue_dma source(%dma_start3A_246 : memref<64x128xf32, #tpu.memory_space<vmem>>) target(%dma_start3A_243 : memref<64x128xf32, #tpu.memory_space<hbm>>) target_semaphore(%dma_start3A_241 : memref<!tpu.dma_semaphore, #tpu.memory_space<semaphore_mem>>)
    %dma_wait3A_247 = arith.constant 6 : i32
    %dma_wait3A_248 = arith.constant 384 : i32
    %dma_wait3A_249 = arith.constant 0 : i32
    %dma_wait3A_250 = tpu.memref_slice %arg6[%dma_wait3A_248, %dma_wait3A_249] : memref<512x128xf32, #tpu.memory_space<vmem>> -> memref<64x128xf32, #tpu.memory_space<vmem>>
    %dma_wait3A_251 = arith.constant 384 : i32
    %dma_wait3A_252 = tpu.memref_slice %arg5[%dma_wait3A_251] : memref<512xi32, #tpu.memory_space<vmem>> -> memref<64xi32, #tpu.memory_space<vmem>>
    %dma_wait3A_253 = arith.constant 0 : i32
    %dma_wait3A_254 = arith.constant 0 : i32
    %dma_wait3A_255 = tpu.memref_slice %arg2[%dma_wait3A_253, %dma_wait3A_254] : memref<100000x128xf32, #tpu.memory_space<hbm>> -> memref<100000x128xf32, #tpu.memory_space<hbm>>
    %dma_wait3A_256 = tpu.memref_slice %arg7[%dma_wait3A_247] : memref<8x!tpu.dma_semaphore, #tpu.memory_space<semaphore_mem>> -> memref<1x!tpu.dma_semaphore, #tpu.memory_space<semaphore_mem>>
    %dma_wait3A_257 = tpu.memref_squeeze %dma_wait3A_256 : memref<1x!tpu.dma_semaphore, #tpu.memory_space<semaphore_mem>> -> memref<!tpu.dma_semaphore, #tpu.memory_space<semaphore_mem>>
    tpu.wait_indirect_dma semaphore(%dma_wait3A_257 : memref<!tpu.dma_semaphore, #tpu.memory_space<semaphore_mem>>) src(%dma_wait3A_255 : memref<100000x128xf32, #tpu.memory_space<hbm>>) dst(%dma_wait3A_250 : memref<64x128xf32, #tpu.memory_space<vmem>>)
    %add3A_258 = arith.constant 384 : i32
    %add3A_259 = arith.addi %mul3A_2, %add3A_258 : i32
    %dma_start3A_260 = arith.constant 6 : i32
    %dma_start3A_261 = arith.constant 384 : i32
    %dma_start3A_262 = arith.constant 0 : i32
    %dma_start3A_263 = tpu.memref_slice %arg6[%dma_start3A_261, %dma_start3A_262] : memref<512x128xf32, #tpu.memory_space<vmem>> -> memref<64x128xf32, #tpu.memory_space<vmem>>
    %dma_start3A_264 = arith.constant 0 : i32
    %dma_start3A_265 = tpu.memref_slice %arg4[%add3A_259, %dma_start3A_264] : memref<131072x128xf32, #tpu.memory_space<hbm>> -> memref<64x128xf32, #tpu.memory_space<hbm>>
    %dma_start3A_266 = tpu.memref_slice %arg8[%dma_start3A_260] : memref<8x!tpu.dma_semaphore, #tpu.memory_space<semaphore_mem>> -> memref<1x!tpu.dma_semaphore, #tpu.memory_space<semaphore_mem>>
    %dma_start3A_267 = tpu.memref_squeeze %dma_start3A_266 : memref<1x!tpu.dma_semaphore, #tpu.memory_space<semaphore_mem>> -> memref<!tpu.dma_semaphore, #tpu.memory_space<semaphore_mem>>
    %dma_start3A_268 = arith.constant 0 : i32
    %dma_start3A_269 = tpu.memref_slice %arg4[%add3A_259, %dma_start3A_268] : memref<131072x128xf32, #tpu.memory_space<hbm>> -> memref<64x128xf32, #tpu.memory_space<hbm>>
    %dma_start3A_270 = arith.constant 384 : i32
    %dma_start3A_271 = arith.constant 0 : i32
    %dma_start3A_272 = tpu.memref_slice %arg6[%dma_start3A_270, %dma_start3A_271] : memref<512x128xf32, #tpu.memory_space<vmem>> -> memref<64x128xf32, #tpu.memory_space<vmem>>
    tpu.enqueue_dma source(%dma_start3A_272 : memref<64x128xf32, #tpu.memory_space<vmem>>) target(%dma_start3A_269 : memref<64x128xf32, #tpu.memory_space<hbm>>) target_semaphore(%dma_start3A_267 : memref<!tpu.dma_semaphore, #tpu.memory_space<semaphore_mem>>)
    %dma_wait3A_273 = arith.constant 7 : i32
    %dma_wait3A_274 = arith.constant 448 : i32
    %dma_wait3A_275 = arith.constant 0 : i32
    %dma_wait3A_276 = tpu.memref_slice %arg6[%dma_wait3A_274, %dma_wait3A_275] : memref<512x128xf32, #tpu.memory_space<vmem>> -> memref<64x128xf32, #tpu.memory_space<vmem>>
    %dma_wait3A_277 = arith.constant 448 : i32
    %dma_wait3A_278 = tpu.memref_slice %arg5[%dma_wait3A_277] : memref<512xi32, #tpu.memory_space<vmem>> -> memref<64xi32, #tpu.memory_space<vmem>>
    %dma_wait3A_279 = arith.constant 0 : i32
    %dma_wait3A_280 = arith.constant 0 : i32
    %dma_wait3A_281 = tpu.memref_slice %arg2[%dma_wait3A_279, %dma_wait3A_280] : memref<100000x128xf32, #tpu.memory_space<hbm>> -> memref<100000x128xf32, #tpu.memory_space<hbm>>
    %dma_wait3A_282 = tpu.memref_slice %arg7[%dma_wait3A_273] : memref<8x!tpu.dma_semaphore, #tpu.memory_space<semaphore_mem>> -> memref<1x!tpu.dma_semaphore, #tpu.memory_space<semaphore_mem>>
    %dma_wait3A_283 = tpu.memref_squeeze %dma_wait3A_282 : memref<1x!tpu.dma_semaphore, #tpu.memory_space<semaphore_mem>> -> memref<!tpu.dma_semaphore, #tpu.memory_space<semaphore_mem>>
    tpu.wait_indirect_dma semaphore(%dma_wait3A_283 : memref<!tpu.dma_semaphore, #tpu.memory_space<semaphore_mem>>) src(%dma_wait3A_281 : memref<100000x128xf32, #tpu.memory_space<hbm>>) dst(%dma_wait3A_276 : memref<64x128xf32, #tpu.memory_space<vmem>>)
    %add3A_284 = arith.constant 448 : i32
    %add3A_285 = arith.addi %mul3A_2, %add3A_284 : i32
    %dma_start3A_286 = arith.constant 7 : i32
    %dma_start3A_287 = arith.constant 448 : i32
    %dma_start3A_288 = arith.constant 0 : i32
    %dma_start3A_289 = tpu.memref_slice %arg6[%dma_start3A_287, %dma_start3A_288] : memref<512x128xf32, #tpu.memory_space<vmem>> -> memref<64x128xf32, #tpu.memory_space<vmem>>
    %dma_start3A_290 = arith.constant 0 : i32
    %dma_start3A_291 = tpu.memref_slice %arg4[%add3A_285, %dma_start3A_290] : memref<131072x128xf32, #tpu.memory_space<hbm>> -> memref<64x128xf32, #tpu.memory_space<hbm>>
    %dma_start3A_292 = tpu.memref_slice %arg8[%dma_start3A_286] : memref<8x!tpu.dma_semaphore, #tpu.memory_space<semaphore_mem>> -> memref<1x!tpu.dma_semaphore, #tpu.memory_space<semaphore_mem>>
    %dma_start3A_293 = tpu.memref_squeeze %dma_start3A_292 : memref<1x!tpu.dma_semaphore, #tpu.memory_space<semaphore_mem>> -> memref<!tpu.dma_semaphore, #tpu.memory_space<semaphore_mem>>
    %dma_start3A_294 = arith.constant 0 : i32
    %dma_start3A_295 = tpu.memref_slice %arg4[%add3A_285, %dma_start3A_294] : memref<131072x128xf32, #tpu.memory_space<hbm>> -> memref<64x128xf32, #tpu.memory_space<hbm>>
    %dma_start3A_296 = arith.constant 448 : i32
    %dma_start3A_297 = arith.constant 0 : i32
    %dma_start3A_298 = tpu.memref_slice %arg6[%dma_start3A_296, %dma_start3A_297] : memref<512x128xf32, #tpu.memory_space<vmem>> -> memref<64x128xf32, #tpu.memory_space<vmem>>
    tpu.enqueue_dma source(%dma_start3A_298 : memref<64x128xf32, #tpu.memory_space<vmem>>) target(%dma_start3A_295 : memref<64x128xf32, #tpu.memory_space<hbm>>) target_semaphore(%dma_start3A_293 : memref<!tpu.dma_semaphore, #tpu.memory_space<semaphore_mem>>)
    %dma_wait3A_299 = arith.constant 0 : i32
    %dma_wait3A_300 = arith.constant 0 : i32
    %dma_wait3A_301 = arith.constant 0 : i32
    %dma_wait3A_302 = tpu.memref_slice %arg6[%dma_wait3A_300, %dma_wait3A_301] : memref<512x128xf32, #tpu.memory_space<vmem>> -> memref<64x128xf32, #tpu.memory_space<vmem>>
    %dma_wait3A_303 = arith.constant 0 : i32
    %dma_wait3A_304 = tpu.memref_slice %arg4[%add3A_103, %dma_wait3A_303] : memref<131072x128xf32, #tpu.memory_space<hbm>> -> memref<64x128xf32, #tpu.memory_space<hbm>>
    %dma_wait3A_305 = tpu.memref_slice %arg8[%dma_wait3A_299] : memref<8x!tpu.dma_semaphore, #tpu.memory_space<semaphore_mem>> -> memref<1x!tpu.dma_semaphore, #tpu.memory_space<semaphore_mem>>
    %dma_wait3A_306 = tpu.memref_squeeze %dma_wait3A_305 : memref<1x!tpu.dma_semaphore, #tpu.memory_space<semaphore_mem>> -> memref<!tpu.dma_semaphore, #tpu.memory_space<semaphore_mem>>
    %dma_wait3A_307 = arith.constant 0 : i32
    %dma_wait3A_308 = tpu.memref_slice %arg4[%add3A_103, %dma_wait3A_307] : memref<131072x128xf32, #tpu.memory_space<hbm>> -> memref<64x128xf32, #tpu.memory_space<hbm>>
    %dma_wait3A_309 = arith.constant 0 : i32
    %dma_wait3A_310 = arith.constant 0 : i32
    %dma_wait3A_311 = tpu.memref_slice %arg6[%dma_wait3A_309, %dma_wait3A_310] : memref<512x128xf32, #tpu.memory_space<vmem>> -> memref<64x128xf32, #tpu.memory_space<vmem>>
    tpu.wait_dma2 semaphore(%dma_wait3A_306 : memref<!tpu.dma_semaphore, #tpu.memory_space<semaphore_mem>>) src(%dma_wait3A_311 : memref<64x128xf32, #tpu.memory_space<vmem>>) dst(%dma_wait3A_308 : memref<64x128xf32, #tpu.memory_space<hbm>>)
    %dma_wait3A_312 = arith.constant 1 : i32
    %dma_wait3A_313 = arith.constant 64 : i32
    %dma_wait3A_314 = arith.constant 0 : i32
    %dma_wait3A_315 = tpu.memref_slice %arg6[%dma_wait3A_313, %dma_wait3A_314] : memref<512x128xf32, #tpu.memory_space<vmem>> -> memref<64x128xf32, #tpu.memory_space<vmem>>
    %dma_wait3A_316 = arith.constant 0 : i32
    %dma_wait3A_317 = tpu.memref_slice %arg4[%add3A_129, %dma_wait3A_316] : memref<131072x128xf32, #tpu.memory_space<hbm>> -> memref<64x128xf32, #tpu.memory_space<hbm>>
    %dma_wait3A_318 = tpu.memref_slice %arg8[%dma_wait3A_312] : memref<8x!tpu.dma_semaphore, #tpu.memory_space<semaphore_mem>> -> memref<1x!tpu.dma_semaphore, #tpu.memory_space<semaphore_mem>>
    %dma_wait3A_319 = tpu.memref_squeeze %dma_wait3A_318 : memref<1x!tpu.dma_semaphore, #tpu.memory_space<semaphore_mem>> -> memref<!tpu.dma_semaphore, #tpu.memory_space<semaphore_mem>>
    %dma_wait3A_320 = arith.constant 0 : i32
    %dma_wait3A_321 = tpu.memref_slice %arg4[%add3A_129, %dma_wait3A_320] : memref<131072x128xf32, #tpu.memory_space<hbm>> -> memref<64x128xf32, #tpu.memory_space<hbm>>
    %dma_wait3A_322 = arith.constant 64 : i32
    %dma_wait3A_323 = arith.constant 0 : i32
    %dma_wait3A_324 = tpu.memref_slice %arg6[%dma_wait3A_322, %dma_wait3A_323] : memref<512x128xf32, #tpu.memory_space<vmem>> -> memref<64x128xf32, #tpu.memory_space<vmem>>
    tpu.wait_dma2 semaphore(%dma_wait3A_319 : memref<!tpu.dma_semaphore, #tpu.memory_space<semaphore_mem>>) src(%dma_wait3A_324 : memref<64x128xf32, #tpu.memory_space<vmem>>) dst(%dma_wait3A_321 : memref<64x128xf32, #tpu.memory_space<hbm>>)
    %dma_wait3A_325 = arith.constant 2 : i32
    %dma_wait3A_326 = arith.constant 128 : i32
    %dma_wait3A_327 = arith.constant 0 : i32
    %dma_wait3A_328 = tpu.memref_slice %arg6[%dma_wait3A_326, %dma_wait3A_327] : memref<512x128xf32, #tpu.memory_space<vmem>> -> memref<64x128xf32, #tpu.memory_space<vmem>>
    %dma_wait3A_329 = arith.constant 0 : i32
    %dma_wait3A_330 = tpu.memref_slice %arg4[%add3A_155, %dma_wait3A_329] : memref<131072x128xf32, #tpu.memory_space<hbm>> -> memref<64x128xf32, #tpu.memory_space<hbm>>
    %dma_wait3A_331 = tpu.memref_slice %arg8[%dma_wait3A_325] : memref<8x!tpu.dma_semaphore, #tpu.memory_space<semaphore_mem>> -> memref<1x!tpu.dma_semaphore, #tpu.memory_space<semaphore_mem>>
    %dma_wait3A_332 = tpu.memref_squeeze %dma_wait3A_331 : memref<1x!tpu.dma_semaphore, #tpu.memory_space<semaphore_mem>> -> memref<!tpu.dma_semaphore, #tpu.memory_space<semaphore_mem>>
    %dma_wait3A_333 = arith.constant 0 : i32
    %dma_wait3A_334 = tpu.memref_slice %arg4[%add3A_155, %dma_wait3A_333] : memref<131072x128xf32, #tpu.memory_space<hbm>> -> memref<64x128xf32, #tpu.memory_space<hbm>>
    %dma_wait3A_335 = arith.constant 128 : i32
    %dma_wait3A_336 = arith.constant 0 : i32
    %dma_wait3A_337 = tpu.memref_slice %arg6[%dma_wait3A_335, %dma_wait3A_336] : memref<512x128xf32, #tpu.memory_space<vmem>> -> memref<64x128xf32, #tpu.memory_space<vmem>>
    tpu.wait_dma2 semaphore(%dma_wait3A_332 : memref<!tpu.dma_semaphore, #tpu.memory_space<semaphore_mem>>) src(%dma_wait3A_337 : memref<64x128xf32, #tpu.memory_space<vmem>>) dst(%dma_wait3A_334 : memref<64x128xf32, #tpu.memory_space<hbm>>)
    %dma_wait3A_338 = arith.constant 3 : i32
    %dma_wait3A_339 = arith.constant 192 : i32
    %dma_wait3A_340 = arith.constant 0 : i32
    %dma_wait3A_341 = tpu.memref_slice %arg6[%dma_wait3A_339, %dma_wait3A_340] : memref<512x128xf32, #tpu.memory_space<vmem>> -> memref<64x128xf32, #tpu.memory_space<vmem>>
    %dma_wait3A_342 = arith.constant 0 : i32
    %dma_wait3A_343 = tpu.memref_slice %arg4[%add3A_181, %dma_wait3A_342] : memref<131072x128xf32, #tpu.memory_space<hbm>> -> memref<64x128xf32, #tpu.memory_space<hbm>>
    %dma_wait3A_344 = tpu.memref_slice %arg8[%dma_wait3A_338] : memref<8x!tpu.dma_semaphore, #tpu.memory_space<semaphore_mem>> -> memref<1x!tpu.dma_semaphore, #tpu.memory_space<semaphore_mem>>
    %dma_wait3A_345 = tpu.memref_squeeze %dma_wait3A_344 : memref<1x!tpu.dma_semaphore, #tpu.memory_space<semaphore_mem>> -> memref<!tpu.dma_semaphore, #tpu.memory_space<semaphore_mem>>
    %dma_wait3A_346 = arith.constant 0 : i32
    %dma_wait3A_347 = tpu.memref_slice %arg4[%add3A_181, %dma_wait3A_346] : memref<131072x128xf32, #tpu.memory_space<hbm>> -> memref<64x128xf32, #tpu.memory_space<hbm>>
    %dma_wait3A_348 = arith.constant 192 : i32
    %dma_wait3A_349 = arith.constant 0 : i32
    %dma_wait3A_350 = tpu.memref_slice %arg6[%dma_wait3A_348, %dma_wait3A_349] : memref<512x128xf32, #tpu.memory_space<vmem>> -> memref<64x128xf32, #tpu.memory_space<vmem>>
    tpu.wait_dma2 semaphore(%dma_wait3A_345 : memref<!tpu.dma_semaphore, #tpu.memory_space<semaphore_mem>>) src(%dma_wait3A_350 : memref<64x128xf32, #tpu.memory_space<vmem>>) dst(%dma_wait3A_347 : memref<64x128xf32, #tpu.memory_space<hbm>>)
    %dma_wait3A_351 = arith.constant 4 : i32
    %dma_wait3A_352 = arith.constant 256 : i32
    %dma_wait3A_353 = arith.constant 0 : i32
    %dma_wait3A_354 = tpu.memref_slice %arg6[%dma_wait3A_352, %dma_wait3A_353] : memref<512x128xf32, #tpu.memory_space<vmem>> -> memref<64x128xf32, #tpu.memory_space<vmem>>
    %dma_wait3A_355 = arith.constant 0 : i32
    %dma_wait3A_356 = tpu.memref_slice %arg4[%add3A_207, %dma_wait3A_355] : memref<131072x128xf32, #tpu.memory_space<hbm>> -> memref<64x128xf32, #tpu.memory_space<hbm>>
    %dma_wait3A_357 = tpu.memref_slice %arg8[%dma_wait3A_351] : memref<8x!tpu.dma_semaphore, #tpu.memory_space<semaphore_mem>> -> memref<1x!tpu.dma_semaphore, #tpu.memory_space<semaphore_mem>>
    %dma_wait3A_358 = tpu.memref_squeeze %dma_wait3A_357 : memref<1x!tpu.dma_semaphore, #tpu.memory_space<semaphore_mem>> -> memref<!tpu.dma_semaphore, #tpu.memory_space<semaphore_mem>>
    %dma_wait3A_359 = arith.constant 0 : i32
    %dma_wait3A_360 = tpu.memref_slice %arg4[%add3A_207, %dma_wait3A_359] : memref<131072x128xf32, #tpu.memory_space<hbm>> -> memref<64x128xf32, #tpu.memory_space<hbm>>
    %dma_wait3A_361 = arith.constant 256 : i32
    %dma_wait3A_362 = arith.constant 0 : i32
    %dma_wait3A_363 = tpu.memref_slice %arg6[%dma_wait3A_361, %dma_wait3A_362] : memref<512x128xf32, #tpu.memory_space<vmem>> -> memref<64x128xf32, #tpu.memory_space<vmem>>
    tpu.wait_dma2 semaphore(%dma_wait3A_358 : memref<!tpu.dma_semaphore, #tpu.memory_space<semaphore_mem>>) src(%dma_wait3A_363 : memref<64x128xf32, #tpu.memory_space<vmem>>) dst(%dma_wait3A_360 : memref<64x128xf32, #tpu.memory_space<hbm>>)
    %dma_wait3A_364 = arith.constant 5 : i32
    %dma_wait3A_365 = arith.constant 320 : i32
    %dma_wait3A_366 = arith.constant 0 : i32
    %dma_wait3A_367 = tpu.memref_slice %arg6[%dma_wait3A_365, %dma_wait3A_366] : memref<512x128xf32, #tpu.memory_space<vmem>> -> memref<64x128xf32, #tpu.memory_space<vmem>>
    %dma_wait3A_368 = arith.constant 0 : i32
    %dma_wait3A_369 = tpu.memref_slice %arg4[%add3A_233, %dma_wait3A_368] : memref<131072x128xf32, #tpu.memory_space<hbm>> -> memref<64x128xf32, #tpu.memory_space<hbm>>
    %dma_wait3A_370 = tpu.memref_slice %arg8[%dma_wait3A_364] : memref<8x!tpu.dma_semaphore, #tpu.memory_space<semaphore_mem>> -> memref<1x!tpu.dma_semaphore, #tpu.memory_space<semaphore_mem>>
    %dma_wait3A_371 = tpu.memref_squeeze %dma_wait3A_370 : memref<1x!tpu.dma_semaphore, #tpu.memory_space<semaphore_mem>> -> memref<!tpu.dma_semaphore, #tpu.memory_space<semaphore_mem>>
    %dma_wait3A_372 = arith.constant 0 : i32
    %dma_wait3A_373 = tpu.memref_slice %arg4[%add3A_233, %dma_wait3A_372] : memref<131072x128xf32, #tpu.memory_space<hbm>> -> memref<64x128xf32, #tpu.memory_space<hbm>>
    %dma_wait3A_374 = arith.constant 320 : i32
    %dma_wait3A_375 = arith.constant 0 : i32
    %dma_wait3A_376 = tpu.memref_slice %arg6[%dma_wait3A_374, %dma_wait3A_375] : memref<512x128xf32, #tpu.memory_space<vmem>> -> memref<64x128xf32, #tpu.memory_space<vmem>>
    tpu.wait_dma2 semaphore(%dma_wait3A_371 : memref<!tpu.dma_semaphore, #tpu.memory_space<semaphore_mem>>) src(%dma_wait3A_376 : memref<64x128xf32, #tpu.memory_space<vmem>>) dst(%dma_wait3A_373 : memref<64x128xf32, #tpu.memory_space<hbm>>)
    %dma_wait3A_377 = arith.constant 6 : i32
    %dma_wait3A_378 = arith.constant 384 : i32
    %dma_wait3A_379 = arith.constant 0 : i32
    %dma_wait3A_380 = tpu.memref_slice %arg6[%dma_wait3A_378, %dma_wait3A_379] : memref<512x128xf32, #tpu.memory_space<vmem>> -> memref<64x128xf32, #tpu.memory_space<vmem>>
    %dma_wait3A_381 = arith.constant 0 : i32
    %dma_wait3A_382 = tpu.memref_slice %arg4[%add3A_259, %dma_wait3A_381] : memref<131072x128xf32, #tpu.memory_space<hbm>> -> memref<64x128xf32, #tpu.memory_space<hbm>>
    %dma_wait3A_383 = tpu.memref_slice %arg8[%dma_wait3A_377] : memref<8x!tpu.dma_semaphore, #tpu.memory_space<semaphore_mem>> -> memref<1x!tpu.dma_semaphore, #tpu.memory_space<semaphore_mem>>
    %dma_wait3A_384 = tpu.memref_squeeze %dma_wait3A_383 : memref<1x!tpu.dma_semaphore, #tpu.memory_space<semaphore_mem>> -> memref<!tpu.dma_semaphore, #tpu.memory_space<semaphore_mem>>
    %dma_wait3A_385 = arith.constant 0 : i32
    %dma_wait3A_386 = tpu.memref_slice %arg4[%add3A_259, %dma_wait3A_385] : memref<131072x128xf32, #tpu.memory_space<hbm>> -> memref<64x128xf32, #tpu.memory_space<hbm>>
    %dma_wait3A_387 = arith.constant 384 : i32
    %dma_wait3A_388 = arith.constant 0 : i32
    %dma_wait3A_389 = tpu.memref_slice %arg6[%dma_wait3A_387, %dma_wait3A_388] : memref<512x128xf32, #tpu.memory_space<vmem>> -> memref<64x128xf32, #tpu.memory_space<vmem>>
    tpu.wait_dma2 semaphore(%dma_wait3A_384 : memref<!tpu.dma_semaphore, #tpu.memory_space<semaphore_mem>>) src(%dma_wait3A_389 : memref<64x128xf32, #tpu.memory_space<vmem>>) dst(%dma_wait3A_386 : memref<64x128xf32, #tpu.memory_space<hbm>>)
    %dma_wait3A_390 = arith.constant 7 : i32
    %dma_wait3A_391 = arith.constant 448 : i32
    %dma_wait3A_392 = arith.constant 0 : i32
    %dma_wait3A_393 = tpu.memref_slice %arg6[%dma_wait3A_391, %dma_wait3A_392] : memref<512x128xf32, #tpu.memory_space<vmem>> -> memref<64x128xf32, #tpu.memory_space<vmem>>
    %dma_wait3A_394 = arith.constant 0 : i32
    %dma_wait3A_395 = tpu.memref_slice %arg4[%add3A_285, %dma_wait3A_394] : memref<131072x128xf32, #tpu.memory_space<hbm>> -> memref<64x128xf32, #tpu.memory_space<hbm>>
    %dma_wait3A_396 = tpu.memref_slice %arg8[%dma_wait3A_390] : memref<8x!tpu.dma_semaphore, #tpu.memory_space<semaphore_mem>> -> memref<1x!tpu.dma_semaphore, #tpu.memory_space<semaphore_mem>>
    %dma_wait3A_397 = tpu.memref_squeeze %dma_wait3A_396 : memref<1x!tpu.dma_semaphore, #tpu.memory_space<semaphore_mem>> -> memref<!tpu.dma_semaphore, #tpu.memory_space<semaphore_mem>>
    %dma_wait3A_398 = arith.constant 0 : i32
    %dma_wait3A_399 = tpu.memref_slice %arg4[%add3A_285, %dma_wait3A_398] : memref<131072x128xf32, #tpu.memory_space<hbm>> -> memref<64x128xf32, #tpu.memory_space<hbm>>
    %dma_wait3A_400 = arith.constant 448 : i32
    %dma_wait3A_401 = arith.constant 0 : i32
    %dma_wait3A_402 = tpu.memref_slice %arg6[%dma_wait3A_400, %dma_wait3A_401] : memref<512x128xf32, #tpu.memory_space<vmem>> -> memref<64x128xf32, #tpu.memory_space<vmem>>
    tpu.wait_dma2 semaphore(%dma_wait3A_397 : memref<!tpu.dma_semaphore, #tpu.memory_space<semaphore_mem>>) src(%dma_wait3A_402 : memref<64x128xf32, #tpu.memory_space<vmem>>) dst(%dma_wait3A_399 : memref<64x128xf32, #tpu.memory_space<hbm>>)
    return
  }
}

module attributes {stable_mosaic.version = 14 : i64} {
  func.func @_score_body(%arg0: i32, %arg1: memref<4096x128xf32, #tpu.memory_space<vmem>>, %arg2: memref<64x4096xf32, #tpu.memory_space<vmem>>, %arg3: memref<64x4096xf32, #tpu.memory_space<vmem>>, %arg4: memref<64x4096xf32, #tpu.memory_space<vmem>>, %arg5: memref<64x4096xf32, #tpu.memory_space<vmem>>, %arg6: memref<1xf32, #tpu.memory_space<smem>>, %arg7: memref<1xf32, #tpu.memory_space<smem>>, %arg8: memref<32x128xf32, #tpu.memory_space<vmem>>) attributes {dimension_semantics = [#tpu.dimension_semantics<arbitrary>], iteration_bounds = array<i64: 4>, scalar_prefetch = 0 : i64, scratch_operands = 0 : i64, tpu.core_type = #tpu.core_type<tc>, window_params = [{transform_indices = @transform_0, window_bounds = array<i64: 4096, 128>}, {transform_indices = @transform_1, window_bounds = array<i64: 64, 4096>}, {transform_indices = @transform_2, window_bounds = array<i64: 64, 4096>}, {transform_indices = @transform_3, window_bounds = array<i64: 64, 4096>}, {transform_indices = @transform_4, window_bounds = array<i64: 64, 4096>}, {transform_indices = @transform_5, window_bounds = array<i64: 1>}, {transform_indices = @transform_6, window_bounds = array<i64: 1>}, {transform_indices = @transform_7, window_bounds = array<i64: 32, 128>}]} {
    %get3A = arith.constant 0 : index
    %get3A_0 = arith.constant 0 : index
    %get3A_1 = vector.load %arg1[%get3A, %get3A_0] : memref<4096x128xf32, #tpu.memory_space<vmem>>, vector<4096x128xf32>
    %transpose3A = tpu.transpose %get3A_1, [1, 0] : vector<4096x128xf32> -> vector<128x4096xf32>
    %slice3A = vector.extract_strided_slice %transpose3A {offsets = [0, 0], sizes = [64, 4096], strides = [1, 1]} : vector<128x4096xf32> to vector<64x4096xf32>
    %slice3A_2 = vector.extract_strided_slice %transpose3A {offsets = [64, 0], sizes = [64, 4096], strides = [1, 1]} : vector<128x4096xf32> to vector<64x4096xf32>
    %mul3A = arith.mulf %slice3A, %slice3A : vector<64x4096xf32>
    %mul3A_3 = arith.mulf %slice3A_2, %slice3A_2 : vector<64x4096xf32>
    %add3A = arith.addf %mul3A, %mul3A_3 : vector<64x4096xf32>
    %sqrt3A = math.sqrt %add3A : vector<64x4096xf32>
    %get3A_4 = arith.constant 0 : index
    %get3A_5 = arith.constant 0 : index
    %get3A_6 = vector.load %arg4[%get3A_4, %get3A_5] : memref<64x4096xf32, #tpu.memory_space<vmem>>, vector<64x4096xf32>
    %get3A_7 = arith.constant 0 : index
    %get3A_8 = arith.constant 0 : index
    %get3A_9 = vector.load %arg5[%get3A_7, %get3A_8] : memref<64x4096xf32, #tpu.memory_space<vmem>>, vector<64x4096xf32>
    %sub3A = arith.subf %get3A_6, %get3A_9 : vector<64x4096xf32>
    %mul3A_10 = arith.constant 5.000000e-01 : f32
    %mul3A_11 = vector.broadcast %mul3A_10 : f32 to vector<64x4096xf32>
    %mul3A_12 = arith.mulf %sub3A, %mul3A_11 : vector<64x4096xf32>
    %mul3A_13 = arith.mulf %mul3A_12, %mul3A_12 : vector<64x4096xf32>
    %mul3A_14 = arith.constant -0.00138888892 : f32
    %mul3A_15 = vector.broadcast %mul3A_14 : f32 to vector<64x4096xf32>
    %mul3A_16 = arith.mulf %mul3A_13, %mul3A_15 : vector<64x4096xf32>
    %add3A_17 = arith.constant 0.0416666679 : f32
    %add3A_18 = vector.broadcast %add3A_17 : f32 to vector<64x4096xf32>
    %add3A_19 = arith.addf %add3A_18, %mul3A_16 : vector<64x4096xf32>
    %mul3A_20 = arith.mulf %mul3A_13, %add3A_19 : vector<64x4096xf32>
    %add3A_21 = arith.constant -5.000000e-01 : f32
    %add3A_22 = vector.broadcast %add3A_21 : f32 to vector<64x4096xf32>
    %add3A_23 = arith.addf %add3A_22, %mul3A_20 : vector<64x4096xf32>
    %mul3A_24 = arith.mulf %mul3A_13, %add3A_23 : vector<64x4096xf32>
    %add3A_25 = arith.constant 1.000000e+00 : f32
    %add3A_26 = vector.broadcast %add3A_25 : f32 to vector<64x4096xf32>
    %add3A_27 = arith.addf %add3A_26, %mul3A_24 : vector<64x4096xf32>
    %mul3A_28 = arith.constant 0.00833333377 : f32
    %mul3A_29 = vector.broadcast %mul3A_28 : f32 to vector<64x4096xf32>
    %mul3A_30 = arith.mulf %mul3A_13, %mul3A_29 : vector<64x4096xf32>
    %add3A_31 = arith.constant -0.166666672 : f32
    %add3A_32 = vector.broadcast %add3A_31 : f32 to vector<64x4096xf32>
    %add3A_33 = arith.addf %add3A_32, %mul3A_30 : vector<64x4096xf32>
    %mul3A_34 = arith.mulf %mul3A_13, %add3A_33 : vector<64x4096xf32>
    %add3A_35 = arith.constant 1.000000e+00 : f32
    %add3A_36 = vector.broadcast %add3A_35 : f32 to vector<64x4096xf32>
    %add3A_37 = arith.addf %add3A_36, %mul3A_34 : vector<64x4096xf32>
    %mul3A_38 = arith.mulf %mul3A_12, %add3A_37 : vector<64x4096xf32>
    %abs3A = math.absf %slice3A : vector<64x4096xf32>
    %add3A_39 = arith.addf %sqrt3A, %abs3A : vector<64x4096xf32>
    %mul3A_40 = arith.constant 5.000000e-01 : f32
    %mul3A_41 = vector.broadcast %mul3A_40 : f32 to vector<64x4096xf32>
    %mul3A_42 = arith.mulf %add3A_39, %mul3A_41 : vector<64x4096xf32>
    %sqrt3A_43 = math.sqrt %mul3A_42 : vector<64x4096xf32>
    %abs3A_44 = math.absf %slice3A_2 : vector<64x4096xf32>
    %add3A_45 = arith.addf %add3A_39, %add3A_39 : vector<64x4096xf32>
    %max3A = arith.constant 1.000000e-30 : f32
    %max3A_46 = vector.broadcast %max3A : f32 to vector<64x4096xf32>
    %max3A_47 = arith.maximumf %add3A_45, %max3A_46 : vector<64x4096xf32>
    %rsqrt3A = math.rsqrt %max3A_47 : vector<64x4096xf32>
    %mul3A_48 = arith.mulf %abs3A_44, %rsqrt3A : vector<64x4096xf32>
    %ge3A = arith.constant 0.000000e+00 : f32
    %ge3A_49 = vector.broadcast %ge3A : f32 to vector<64x4096xf32>
    %ge3A_50 = arith.cmpf oge, %slice3A, %ge3A_49 : vector<64x4096xf32>
    %select_n3A = arith.select %ge3A_50, %sqrt3A_43, %mul3A_48 : vector<64x4096xi1>, vector<64x4096xf32>
    %ge3A_51 = arith.constant 0.000000e+00 : f32
    %ge3A_52 = vector.broadcast %ge3A_51 : f32 to vector<64x4096xf32>
    %ge3A_53 = arith.cmpf oge, %slice3A, %ge3A_52 : vector<64x4096xf32>
    %select_n3A_54 = arith.select %ge3A_53, %mul3A_48, %sqrt3A_43 : vector<64x4096xi1>, vector<64x4096xf32>
    %ge3A_55 = arith.constant 0.000000e+00 : f32
    %ge3A_56 = vector.broadcast %ge3A_55 : f32 to vector<64x4096xf32>
    %ge3A_57 = arith.cmpf oge, %slice3A_2, %ge3A_56 : vector<64x4096xf32>
    %neg3A = arith.constant 0.000000e+00 : f32
    %neg3A_58 = vector.broadcast %neg3A : f32 to vector<64x4096xf32>
    %neg3A_59 = arith.subf %neg3A_58, %select_n3A_54 : vector<64x4096xf32>
    %select_n3A_60 = arith.select %ge3A_57, %select_n3A_54, %neg3A_59 : vector<64x4096xi1>, vector<64x4096xf32>
    %max3A_61 = arith.constant 1.000000e-30 : f32
    %max3A_62 = vector.broadcast %max3A_61 : f32 to vector<64x4096xf32>
    %max3A_63 = arith.maximumf %sqrt3A, %max3A_62 : vector<64x4096xf32>
    %rsqrt3A_64 = math.rsqrt %max3A_63 : vector<64x4096xf32>
    %mul3A_65 = arith.mulf %add3A_27, %select_n3A : vector<64x4096xf32>
    %mul3A_66 = arith.mulf %mul3A_38, %select_n3A_60 : vector<64x4096xf32>
    %sub3A_67 = arith.subf %mul3A_65, %mul3A_66 : vector<64x4096xf32>
    %abs3A_68 = math.absf %sub3A_67 : vector<64x4096xf32>
    %mul3A_69 = arith.mulf %abs3A_68, %rsqrt3A_64 : vector<64x4096xf32>
    %get3A_70 = arith.constant 0 : index
    %get3A_71 = arith.constant 0 : index
    %get3A_72 = vector.load %arg2[%get3A_70, %get3A_71] : memref<64x4096xf32, #tpu.memory_space<vmem>>, vector<64x4096xf32>
    %mul3A_73 = arith.mulf %get3A_72, %sqrt3A : vector<64x4096xf32>
    %get3A_74 = arith.constant 0 : index
    %get3A_75 = arith.constant 0 : index
    %get3A_76 = vector.load %arg3[%get3A_74, %get3A_75] : memref<64x4096xf32, #tpu.memory_space<vmem>>, vector<64x4096xf32>
    %sub3A_77 = arith.subf %mul3A_73, %get3A_76 : vector<64x4096xf32>
    %square3A = arith.mulf %sub3A_77, %sub3A_77 : vector<64x4096xf32>
    %broadcast_in_dim3A = arith.constant 1.000000e+00 : f32
    %broadcast_in_dim3A_78 = vector.broadcast %broadcast_in_dim3A : f32 to vector<1x64xf32>
    %dot_general3A = arith.constant dense<0.000000e+00> : vector<1x4096xf32>
    %dot_general3A_79 = tpu.matmul %broadcast_in_dim3A_78, %mul3A_69, %dot_general3A {dimension_numbers = #tpu.dot_dimension_numbers<[1], [0], [0], [1], [0, 0, 1, 1], [], []>, transpose_lhs_hint = false} : vector<1x64xf32>, vector<64x4096xf32>, vector<1x4096xf32> -> vector<1x4096xf32>
    %dot_general3A_80 = arith.constant dense<0.000000e+00> : vector<1x4096xf32>
    %dot_general3A_81 = tpu.matmul %broadcast_in_dim3A_78, %square3A, %dot_general3A_80 {dimension_numbers = #tpu.dot_dimension_numbers<[1], [0], [0], [1], [0, 0, 1, 1], [], []>, transpose_lhs_hint = false} : vector<1x64xf32>, vector<64x4096xf32>, vector<1x4096xf32> -> vector<1x4096xf32>
    %sqrt3A_82 = math.sqrt %dot_general3A_81 : vector<1x4096xf32>
    %get3A_83 = arith.constant 0 : index
    %get3A_84 = memref.load %arg7[%get3A_83] : memref<1xf32, #tpu.memory_space<smem>>
    %mul3A_85 = vector.broadcast %get3A_84 : f32 to vector<1x4096xf32>
    %mul3A_86 = arith.mulf %mul3A_85, %sqrt3A_82 : vector<1x4096xf32>
    %get3A_87 = arith.constant 0 : index
    %get3A_88 = memref.load %arg6[%get3A_87] : memref<1xf32, #tpu.memory_space<smem>>
    %mul3A_89 = vector.broadcast %get3A_88 : f32 to vector<1x4096xf32>
    %mul3A_90 = arith.mulf %mul3A_89, %dot_general3A_79 : vector<1x4096xf32>
    %add3A_91 = arith.addf %mul3A_86, %mul3A_90 : vector<1x4096xf32>
    %neg3A_92 = arith.constant 0.000000e+00 : f32
    %neg3A_93 = vector.broadcast %neg3A_92 : f32 to vector<1x4096xf32>
    %neg3A_94 = arith.subf %neg3A_93, %add3A_91 : vector<1x4096xf32>
    %reshape3A = vector.shape_cast %neg3A_94 : vector<1x4096xf32> to vector<32x128xf32>
    %swap3A = arith.constant 0 : index
    %swap3A_95 = arith.constant 0 : index
    %swap3A_96 = vector.load %arg8[%swap3A, %swap3A_95] : memref<32x128xf32, #tpu.memory_space<vmem>>, vector<32x128xf32>
    tpu.vector_store %arg8[%swap3A, %swap3A_95], %reshape3A {strides = array<i32>} : memref<32x128xf32, #tpu.memory_space<vmem>>, vector<32x128xf32>,
    return
  }
  func.func @transform_0(%arg0: i32) -> (i32, i32) {
    %c0_i32 = arith.constant 0 : i32
    %c0_i32_0 = arith.constant 0 : i32
    return %arg0, %c0_i32 : i32, i32
  }
  func.func @transform_1(%arg0: i32) -> (i32, i32) {
    %add3A = arith.constant 0 : i32
    %add3A_0 = arith.addi %arg0, %add3A : i32
    %c0_i32 = arith.constant 0 : i32
    %c0_i32_1 = arith.constant 0 : i32
    return %c0_i32, %add3A_0 : i32, i32
  }
  func.func @transform_2(%arg0: i32) -> (i32, i32) {
    %add3A = arith.constant 0 : i32
    %add3A_0 = arith.addi %arg0, %add3A : i32
    %c0_i32 = arith.constant 0 : i32
    %c0_i32_1 = arith.constant 0 : i32
    return %c0_i32, %add3A_0 : i32, i32
  }
  func.func @transform_3(%arg0: i32) -> (i32, i32) {
    %add3A = arith.constant 0 : i32
    %add3A_0 = arith.addi %arg0, %add3A : i32
    %c0_i32 = arith.constant 0 : i32
    %c0_i32_1 = arith.constant 0 : i32
    return %c0_i32, %add3A_0 : i32, i32
  }
  func.func @transform_4(%arg0: i32) -> (i32, i32) {
    %add3A = arith.constant 0 : i32
    %add3A_0 = arith.addi %arg0, %add3A : i32
    %c0_i32 = arith.constant 0 : i32
    %c0_i32_1 = arith.constant 0 : i32
    return %c0_i32, %add3A_0 : i32, i32
  }
  func.func @transform_5(%arg0: i32) -> i32 {
    %c0_i32 = arith.constant 0 : i32
    %c0_i32_0 = arith.constant 0 : i32
    return %c0_i32 : i32
  }
  func.func @transform_6(%arg0: i32) -> i32 {
    %c0_i32 = arith.constant 0 : i32
    %c0_i32_0 = arith.constant 0 : i32
    return %c0_i32 : i32
  }
  func.func @transform_7(%arg0: i32) -> (i32, i32) {
    %c0_i32 = arith.constant 0 : i32
    %c0_i32_0 = arith.constant 0 : i32
    return %arg0, %c0_i32 : i32, i32
  }
}

</mosaic_0001>

<sc_bundles>
// kernel: kernel.4.cloned.1.call-start
scs
__scs_entry_jumppad:
0x0: {  	(pc) =	sbr.rel $0x88, $3  }
0x1: {  	(tag) =	ssettag $0x0;
	lr =	simm.s32 $0x1  }
0x2: {  	[smem:$0x3F99] =	sst lr;
	_ =	strace $0xD0000000  }
0x3: {  	_ = 	snop  }
0x4: {  	_ = 	snop  }
0x5: {  	_ = 	snop  }
0x6: {  	_ = 	snop  }
0x7: {  	_ = 	snop  }
__scs_overlays_trampoline_lowered:
0x8: {  	[smem:$0x3FA8] =	sst s0  }
0x9: {  	[smem:$0x3FA9] =	sst s1  }
0xa: {  	[smem:$0x3FAA] =	sst s2  }
0xb: {  	[smem:$0x3FAB] =	sst s3  }
0xc: {  	[smem:$0x3FAC] =	sst s4  }
0xd: {  	[smem:$0x3FAD] =	sst s5  }
0xe: {  	[smem:$0x3FAE] =	sst s6  }
0xf: {  	[smem:$0x3FAF] =	sst s7  }
0x10: {  	[smem:$0x3FB0] =	sst s8  }
0x11: {  	[smem:$0x3FB1] =	sst s9;
	s0 =	simm.s32 @!p0 $0x0  }
0x12: {  	s1 =	sld [smem:$0x3F97];
	s0 =	simm.s32 @p0 $0x1  }
0x13: {  	[smem:$0x3FB2] =	sst s0;
	s0 =	simm.s32 @!p1 $0x0  }
0x14: {  	s2 =	sld [smem:$0x3F96];
	s0 =	simm.s32 @p1 $0x1  }
0x15: {  	[smem:$0x3FB3] =	sst s0;
	s0 =	simm.s32 @!p2 $0x0  }
0x16: {  	s3 =	sld [smem:$0x3FDB];
	s0 =	simm.s32 @p2 $0x1  }
0x17: {  	s4 =	simm.s32 $0x1BF5;
	[smem:$0x3FB5] =	sst s0  }
0x18: {  	s0 =	sld [smem:$0x3F98];
	_ =	swait.ge [sflag:s4], $0x0  }
0x19: {  	s7 =	sld [smem:$0x3F99]  }
0x1a: {  	s8 =	sadd.s32 $0xFFFFE003, lr  }
0x1b: {  	s9 =	sadd.s32 $0xFFFFFEF7, lr;
	s5 =	simm.s32 $0xFFFFFFFF;
	p2 =	slt.u32 s8, $0xFFFFF086  }
0x1c: {  	p1 =	slt.u32 s9, $0xF7A;
	s5 =	simm.s32 @!p2 $0x0  }
0x1d: {  	s5 =	simm.s32 @p1 $0x1;
	p0 =	seq.s32 s7, s2  }
0x1e: {  	s7 =	smul.u32 @!p0 $0xF7A, s2;
	p2 =	seq.s32 @!p0 s5, $0x0  }
0x1f: {  	s9 =	smul.u32 $0xF7A, s1;
	s8 =	simm.s32 @!p0 $0x1BF5;
	p2 =	por !p2, p0  }
0x20: {  	[sflag:s8] =	ssyncset.s32 @!p0 $0xFFFFF086;
	s6 =	sadd.s32 @!p0 s3, s7;
	s7 =	simm.s32 @!p0 $0x108  }
0x21: {  	s3 =	sadd.s32 s3, s9;
	s6 =	sadd.s32 @!p0 $0x88, s6;
	s7 =	simm.s32 @p2 $0x1082  }
0x22: {  	[simem:s7], [sflag:s8] =	dma.local @!p0 [hbm:s6], $0xF7A  }
0x23: {  	s9 =	sor.u32 $0xD0000000, s2;
	s6 =	simm.s32 $0x108;
	_ =	swait.ge @!p0 [sflag:s8], $0x0  }
0x24: {  	s3 =	sadd.s32 $0x88, s3;
	s6 =	simm.s32 @!p1 $0x1082;
	[sflag:s4] =	ssyncset.s32 $0xFFFFF086  }
0x25: {  	[simem:s6], [sflag:s4] =	dma.local [hbm:s3], $0xF7A  }
0x26: {  	[smem:$0x3F99] =	sst s1;
	(tag) =	ssettag s2;
	_ =	strace s9  }
0x27: {  	s1 =	sld [smem:$0x3FA9]  }
0x28: {  	s2 =	sld [smem:$0x3FAA]  }
0x29: {  	s4 =	sld [smem:$0x3FAC]  }
0x2a: {  	p0 =	seq.s32 s5, $0x0;
	s5 =	sld [smem:$0x3FAD]  }
0x2b: {  	s6 =	sld [smem:$0x3FAE]  }
0x2c: {  	s7 =	sld [smem:$0x3FAF]  }
0x2d: {  	s3 =	simm.s32 $0x108;
	s8 =	sld [smem:$0x3FB0]  }
0x2e: {  	s3 =	simm.s32 @!p0 $0x1082;
	s9 =	sld [smem:$0x3FB1]  }
0x2f: {  	lr =	sadd.s32 s0, s3;
	s0 =	sld [smem:$0x3FA8]  }
0x30: {  	s3 =	sld [smem:$0x3FAB]  }
0x31: {  	[smem:$0x3FB4] =	sst s10  }
0x32: {  	s10 =	sld [smem:$0x3FB2];
	_ =	sdelay $0x3  }
0x33: {  	p0 =	seq.s32 s10, $0x1;
	s10 =	sld [smem:$0x3FB4];
	_ =	sdelay $0x3  }
0x34: {  	[smem:$0x3FB4] =	sst s10  }
0x35: {  	s10 =	sld [smem:$0x3FB3];
	_ =	sdelay $0x3  }
0x36: {  	p1 =	seq.s32 s10, $0x1;
	s10 =	sld [smem:$0x3FB4];
	_ =	sdelay $0x3  }
0x37: {  	[smem:$0x3FB4] =	sst s10  }
0x38: {  	s10 =	sld [smem:$0x3FB5]  }
0x39: {  	_ = 	snop;
	(pc) =	sbr.ind lr, $3  }
0x3a: {  	_ = 	snop  }
0x3b: {  	_ = 	snop  }
0x3c: {  	p2 =	seq.s32 s10, $0x1;
	s10 =	sld [smem:$0x3FB4]  }
0x3d: {  	_ =	shalt  }
0x3e: {  	_ =	shalt  }
0x3f: {  	_ =	shalt  }
0x40: {  	_ =	shalt  }
0x41: {  	_ =	shalt  }
0x42: {  	_ =	shalt  }
0x43: {  	_ =	shalt  }
0x44: {  	_ =	shalt  }
0x45: {  	_ =	shalt  }
0x46: {  	_ =	shalt  }
0x47: {  	_ =	shalt  }
0x48: {  	_ =	shalt  }
0x49: {  	_ =	shalt  }
0x4a: {  	_ =	shalt  }
0x4b: {  	_ =	shalt  }
0x4c: {  	_ =	shalt  }
0x4d: {  	_ =	shalt  }
0x4e: {  	_ =	shalt  }
0x4f: {  	_ =	shalt  }
0x50: {  	_ =	shalt  }
0x51: {  	_ =	shalt  }
0x52: {  	_ =	shalt  }
0x53: {  	_ =	shalt  }
0x54: {  	_ =	shalt  }
0x55: {  	_ =	shalt  }
0x56: {  	_ =	shalt  }
0x57: {  	_ =	shalt  }
0x58: {  	_ =	shalt  }
0x59: {  	_ =	shalt  }
0x5a: {  	_ =	shalt  }
0x5b: {  	_ =	shalt  }
0x5c: {  	_ =	shalt  }
0x5d: {  	_ =	shalt  }
0x5e: {  	_ =	shalt  }
0x5f: {  	_ =	shalt  }
0x60: {  	_ =	shalt  }
0x61: {  	_ =	shalt  }
0x62: {  	_ =	shalt  }
0x63: {  	_ =	shalt  }
0x64: {  	_ =	shalt  }
0x65: {  	_ =	shalt  }
0x66: {  	_ =	shalt  }
0x67: {  	_ =	shalt  }
0x68: {  	_ =	shalt  }
0x69: {  	_ =	shalt  }
0x6a: {  	_ =	shalt  }
0x6b: {  	_ =	shalt  }
0x6c: {  	_ =	shalt  }
0x6d: {  	_ =	shalt  }
0x6e: {  	_ =	shalt  }
0x6f: {  	_ =	shalt  }
0x70: {  	_ =	shalt  }
0x71: {  	_ =	shalt  }
0x72: {  	_ =	shalt  }
0x73: {  	_ =	shalt  }
0x74: {  	_ =	shalt  }
0x75: {  	_ =	shalt  }
0x76: {  	_ =	shalt  }
0x77: {  	_ =	shalt  }
0x78: {  	_ =	shalt  }
0x79: {  	_ =	shalt  }
0x7a: {  	_ =	shalt  }
0x7b: {  	_ =	shalt  }
0x7c: {  	_ =	shalt  }
0x7d: {  	_ =	shalt  }
0x7e: {  	_ =	shalt  }
0x7f: {  	_ =	shalt  }
0x80: {  	_ =	shalt  }
0x81: {  	_ =	shalt  }
0x82: {  	_ =	shalt  }
0x83: {  	_ =	shalt  }
0x84: {  	_ =	shalt  }
0x85: {  	_ =	shalt  }
0x86: {  	_ =	shalt  }
0x87: {  	_ =	shalt  }
.Lfunc_end0:
.L_simem_size_0:
called_computation_lowered:
.L_overlay_start_0:
0x88: {  	s2 =	sld [smem:$0x3FD9]  }
0x89: {  	s3 =	sld [smem:$0x3FFE];
	_ =	sdelay $0x1  }
0x8a: {  	s1 =	srdreg.scid  }
0x8b: {  	s0 =	sand.u32 $0x1, s1  }
0x8c: {  	s17 =	sshll.u32 s0, $0xA;
	s2 =	sadd.s32 s3, s2  }
0x8d: {  	s2 =	sadd.s32 s2, s17  }
0x8e: {  	[smem:$0x3FC0] =	sst s2  }
0x8f: {  	_ = 	snop  }
0x90: {  	s2 =	sld [smem:$0x3FC5]  }
0x91: {  	s18 =	sld [smem:$0x3FC4];
	(tm) =	ssettm $0x1  }
0x92: {  	s4 =	sld [smem:$0x3FFB];
	_ =	sdelay $0x3  }
0x93: {  	_ =	strace s4  }
0x94: {  	s4 =	sld [smem:$0x3FFC];
	_ =	sdelay $0x3  }
0x95: {  	_ =	strace s4  }
0x96: {  	s4 =	sld [smem:$0x3FFD];
	_ =	sdelay $0x3  }
0x97: {  	_ =	strace s4  }
0x98: {  	_ =	strace $0x8FFFFFFF  }
0x99: {  	s19 =	sld [smem:$0x3FDB];
	_ =	sdelay $0x1  }
0x9a: {  	s5 =	simm.s32 $_scs_section_size  }
0x9b: {  	s6 =	simm.s32 $_size__tile_overlayer_lowered;
	s7 =	simm.s32 $_tile_overlayer_lowered  }
0x9c: {  	s22 =	simm.s32 $0x1BFF;
	s21 =	sshll.u32 s7, $0x1;
	s4 =	sadd.s32 s5, s19  }
0x9d: {  	s8 =	simm.s32 $0x0;
	s20 =	sshll.u32 s6, $0x1;
	s6 =	sadd.s32 s21, s4  }
0x9e: {  	[timem:s8], [sflag:s22] =	dma.local [hbm:s6], s20  }
0x9f: {  	_ =	swait.ge [sflag:s22], s20  }
0xa0: {  	s5 =	ssub.s32 $0x0, s20;
	[sflag:s22] =	ssyncset.done $0x0  }
0xa1: {  	[sflag:s22] =	ssyncadd.s32 s5;
	_ =	sdelay $0x1  }
0xa2: {  	s23 =	simm.s32 $0x1B8B  }
0xa3: {  	_ =	swait.ge [sflag:s23], $0x1  }
0xa4: {  	[sflag:s23] =	ssyncset.done $0x0  }
0xa5: {  	s25 =	simm.s32 $0x1B8E;
	s24 =	sld [smem:$0x3FFE];
	[sflag:s23] =	ssyncadd.s32 $0xFFFFFFFF  }
0xa6: {  	s26 =	simm.s32 $execute0_lowered;
	[smem:$0x3FD2] =	sst s25  }
0xa7: {  	s6 =	sshll.u32 s26, $0x1;
	_ =	strace $0x80000046;
	[dreg:$0x1] =	wrdreg $0xFFFFFFFF  }
0xa8: {  	s28 =	simm.s32 $_size_execute0_lowered;
	s4 =	sadd.s32 s4, s6;
	[dreg:$0x0] =	wrdreg $0x0  }
0xa9: {  	s6 =	sshll.u32 s28, $0x1;
	[dreg:$0x2] =	wrdreg s4  }
0xaa: {  	[dreg:$0x3] =	wrdreg s6  }
0xab: {  	[dreg:$0x4] =	wrdreg $0xC0  }
0xac: {  	_ =	task [dreg:s8], $0x5FFFF  }
0xad: {  	[dreg:$0x1] =	wrdreg $0xFFFFFFFF  }
0xae: {  	[dreg:$0x0] =	wrdreg $0x60  }
0xaf: {  	[dreg:$0x2] =	wrdreg s18  }
0xb0: {  	[dreg:$0x3] =	wrdreg s2  }
0xb1: {  	[dreg:$0x4] =	wrdreg s24  }
0xb2: {  	[dreg:$0x5] =	wrdreg $0x9  }
0xb3: {  	_ =	task.clear_ibuf [dreg:s8], $0x6FFFF;
	_ =	strace $0x90000046  }
0xb4: {  	s29 =	simm.s32 $0x9;
	_ =	strace $0x80000048  }
0xb5: {  	_ =	swait.ge [sflag:s29], $0x1  }
0xb6: {  	[sflag:s29] =	ssyncadd.s32 $0xFFFFFFFF  }
0xb7: {  	_ =	strace $0x90000048  }
0xb8: {  	_ =	sfence  }
0xb9: {  	s30 =	sld [smem:$0x0];
	_ =	sdelay $0x2  }
0xba: {  	s31 =	sshll.u32 s1, $0xD;
	s1 =	sshrl.u32 s1, $0x2  }
0xbb: {  	s3 =	sand.u32 $0x4000, s31;
	s1 =	sadd.s32 s1, s30  }
0xbc: {  	s0 =	sor.u32 s3, s0;
	s1 =	sshll.u32 s1, $0x11  }
0xbd: {  	s0 =	sor.u32 s1, s0  }
0xbe: {  	s0 =	sadd.s32 $0x8F2B, s0  }
0xbf: {  	[sflag:s0] =	ssyncadd.remote.s32 $0x1  }
0xc0: {  	_ =	sfence.sel $0xFFFF  }
0xc1: {  	[dreg:$0x0] =	wrdreg $0xFFFFFFFF;
	(pc) =	sbr.abs _section_cstart, $3  }
0xc2: {  	[dreg:$0x1] =	wrdreg $0xFFFFFFFF  }
0xc3: {  	_ =	task.clear_ibuf [dreg:s8], $0x2FFFF;
	_ =	strace $0x9FFFFFFF  }
0xc4: {  	(tm) =	ssettm $0x7FFFFFFF  }
0xc5: {  	_ =	shalt  }
tec
execute0_lowered:
.L_overlay_start_1:
0x0: {  	(tag) =	ssettag $0x1  }
0x1: {  	s3 =	rddreg [dreg:$0x0]  }
0x2: {  	s0 =	srdreg.scid;
	s1 =	rddreg [dreg:$0x1]  }
0x3: {  	s2 =	stileid.u32;
	s4 =	rddreg [dreg:$0x2];
	s28 =	simm.s32 $0x11  }
0x4: {  	s23 =	simm.s32 $0x40;
	s21 =	simm.s32 $0x200;
	s20 =	simm.s32 $0x80  }
0x5: {  	s22 =	simm.s32 $0xC0;
	s24 =	simm.s32 $0x100;
	s25 =	simm.s32 $0x140  }
0x6: {  	s26 =	simm.s32 $0x180;
	s9 =	simm.s32 $0xC200;
	s7 =	simm.s32 $0xE200  }
0x7: {  	s30 =	simm.s32 $0x1;
	s5 =	sshll.u32 s2, $0xA;
	s2 =	simm.s32 $0x0  }
0x8: {  	s29 =	simm.s32 $0x2;
	p0 =	por $0x0, $0x0;
	[smem:$0x7FF] =	sst s2  }
0x9: {  	s10 =	simm.s32 $0xC;
	_ =	strace $0x80000047;
	[dreg:$0xd] =	wrdreg s20  }
0xa: {  	s8 =	simm.s32 $0xD;
	s0 =	sand.u32 $0x1, s0;
	[dreg:$0xe] =	wrdreg s22  }
0xb: {  	s6 =	sshll.u32 s0, $0x9;
	s0 =	ssub.s32 $0x2, s0;
	[dreg:$0xf] =	wrdreg s24  }
0xc: {  	s5 =	sor.u32 s6, s5;
	s18 =	sshrl.u32 s0, $0x1;
	[dreg:$0x10] =	wrdreg s25  }
0xd: {  	[dreg:$0x11] =	wrdreg s26;
	s26 =	simm.s32 $0x3;
	s25 =	simm.s32 $0x4  }
0xe: {  	s24 =	simm.s32 $0x5;
	s6 =	sshll.u32 s5, $0x4;
	s5 =	sshrl.u32 s5, $0x3  }
0xf: {  	s22 =	simm.s32 $0x6;
	s4 =	sadd.s32 s6, s4;
	s1 =	sadd.s32 s1, s5  }
0x10: {  	s20 =	simm.s32 $0x7;
	[dreg:$0x4] =	wrdreg s1;
	s11 =	sadd.s32 $0xC00, s4  }
0x11: {  	s0 =	ssub.s32 s0, s18;
	s12 =	sadd.s32 $0x1000, s4;
	[dreg:$0x5] =	wrdreg s11  }
0x12: {  	s18 =	simm.s32 $0x4200;
	s13 =	sadd.s32 $0x1400, s4;
	[dreg:$0x6] =	wrdreg s12  }
0x13: {  	s0 =	smax.u32 s0, $0x1;
	s14 =	sadd.s32 $0x1800, s4;
	[dreg:$0x7] =	wrdreg s13  }
0x14: {  	s6 =	simm.s32 $0xE;
	s15 =	sadd.s32 $0x1C00, s4;
	[dreg:$0x8] =	wrdreg s14  }
0x15: {  	s5 =	simm.s32 $0xF;
	s16 =	sadd.s32 $0x2000, s4;
	[dreg:$0x9] =	wrdreg s15  }
0x16: {  	s17 =	sadd.s32 $0x2400, s4;
	p1 =	sne.s32 s0, $0x1;
	[dreg:$0xa] =	wrdreg s16  }
.Ltmp0:
0x17: {  	s19 =	sadd.s32 $0x2800, s4;
	[dreg:$0xb] =	wrdreg s17;
	(pc) =	sbr.rel @!p1 .LBB2_1-.Ltmp0, $4  }
0x18: {  	s31 =	sadd.s32 $0xFFFFFFFF, s0;
	s4 =	simm.s32 $0x10;
	[dreg:$0xc] =	wrdreg s19  }
0x19: {  	s19 =	simm.s32 $0x2200;
	s16 =	simm.s32 $0x6200;
	s15 =	simm.s32 $0x8200  }
0x1a: {  	s12 =	simm.s32 $0xA200;
	s17 =	simm.s32 $0x8;
	s14 =	simm.s32 $0x9  }
0x1b: {  	s11 =	simm.s32 $0xA;
	s13 =	simm.s32 $0xB;
	s0 =	rddreg [dreg:$0x4]  }
0x1c: {  	[tilespmem:s2], [sflag:$0x11] =	stream.linear.gather [hbm4b:s0+s2], $0x200, $0x38;
	[tilespmem:$0x10200] =	vst v63  }
0x1d: {  	_ =	swait.ge [sflag:s28], $0x200  }
0x1e: {  	[sflag:s28] =	ssyncset.done $0x0  }
0x1f: {  	[sflag:s28] =	ssyncadd.s32 $0xFFFFFE00  }
0x20: {  	[tilespmem:s21], [sflag:$0x1] =	stream.indirect.gather [hbm4b:s3+s23], $0x80, s2, s23, $0xb8;
	[tilespmem:$0x10200] =	vst v63  }
0x21: {  	_ = 	snop  }
0x22: {  	[tilespmem:s19], [sflag:$0x2] =	stream.indirect.gather [hbm4b:s3+s23], $0x80, s23, s23, $0xb8;
	[tilespmem:$0x10200] =	vst v63  }
0x23: {  	s0 =	rddreg [dreg:$0xd]  }
0x24: {  	[tilespmem:s18], [sflag:$0x3] =	stream.indirect.gather [hbm4b:s3+s23], $0x80, s0, s23, $0xb8;
	[tilespmem:$0x10200] =	vst v63  }
0x25: {  	s1 =	rddreg [dreg:$0xe]  }
0x26: {  	[tilespmem:s16], [sflag:$0x4] =	stream.indirect.gather [hbm4b:s3+s23], $0x80, s1, s23, $0xb8;
	[tilespmem:$0x10200] =	vst v63  }
0x27: {  	s0 =	rddreg [dreg:$0xf]  }
0x28: {  	[tilespmem:s15], [sflag:$0x5] =	stream.indirect.gather [hbm4b:s3+s23], $0x80, s0, s23, $0xb8;
	[tilespmem:$0x10200] =	vst v63  }
0x29: {  	s1 =	rddreg [dreg:$0x10]  }
0x2a: {  	[tilespmem:s12], [sflag:$0x6] =	stream.indirect.gather [hbm4b:s3+s23], $0x80, s1, s23, $0xb8;
	[tilespmem:$0x10200] =	vst v63  }
0x2b: {  	s0 =	rddreg [dreg:$0x11]  }
0x2c: {  	[tilespmem:s9], [sflag:$0x7] =	stream.indirect.gather [hbm4b:s3+s23], $0x80, s0, s23, $0xb8;
	[tilespmem:$0x10200] =	vst v63  }
0x2d: {  	s1 =	simm.s32 $0x1C0  }
0x2e: {  	[tilespmem:s7], [sflag:$0x8] =	stream.indirect.gather [hbm4b:s3+s23], $0x80, s1, s23, $0xb8;
	[tilespmem:$0x10200] =	vst v63  }
0x2f: {  	_ =	swait.ge [sflag:s30], $0x2000  }
0x30: {  	[sflag:s30] =	ssyncset.done $0x0  }
0x31: {  	s1 =	rddreg [dreg:$0x5];
	[sflag:s30] =	ssyncadd.s32 $0xFFFFE000  }
0x32: {  	[hbm4b:s1+s2] =	stream.linear.scatter [tilespmem:s21], [sflag:$0x9], $0x2000, $0x38;
	[tilespmem:$0x10200] =	vst v63  }
0x33: {  	_ =	swait.ge [sflag:s29], $0x2000  }
0x34: {  	[sflag:s29] =	ssyncset.done $0x0  }
0x35: {  	s1 =	rddreg [dreg:$0x6];
	[sflag:s29] =	ssyncadd.s32 $0xFFFFE000  }
0x36: {  	[hbm4b:s1+s2] =	stream.linear.scatter [tilespmem:s19], [sflag:$0xA], $0x2000, $0x38;
	[tilespmem:$0x10200] =	vst v63  }
0x37: {  	_ =	swait.ge [sflag:s26], $0x2000  }
0x38: {  	[sflag:s26] =	ssyncset.done $0x0  }
0x39: {  	s1 =	rddreg [dreg:$0x7];
	[sflag:s26] =	ssyncadd.s32 $0xFFFFE000  }
0x3a: {  	[hbm4b:s1+s2] =	stream.linear.scatter [tilespmem:s18], [sflag:$0xB], $0x2000, $0x38;
	[tilespmem:$0x10200] =	vst v63  }
0x3b: {  	_ =	swait.ge [sflag:s25], $0x2000  }
0x3c: {  	[sflag:s25] =	ssyncset.done $0x0  }
0x3d: {  	s1 =	rddreg [dreg:$0x8];
	[sflag:s25] =	ssyncadd.s32 $0xFFFFE000  }
0x3e: {  	[hbm4b:s1+s2] =	stream.linear.scatter [tilespmem:s16], [sflag:$0xC], $0x2000, $0x38;
	[tilespmem:$0x10200] =	vst v63  }
0x3f: {  	_ =	swait.ge [sflag:s24], $0x2000  }
0x40: {  	[sflag:s24] =	ssyncset.done $0x0  }
0x41: {  	s1 =	rddreg [dreg:$0x9];
	[sflag:s24] =	ssyncadd.s32 $0xFFFFE000  }
0x42: {  	[hbm4b:s1+s2] =	stream.linear.scatter [tilespmem:s15], [sflag:$0xD], $0x2000, $0x38;
	[tilespmem:$0x10200] =	vst v63  }
0x43: {  	_ =	swait.ge [sflag:s22], $0x2000  }
0x44: {  	[sflag:s22] =	ssyncset.done $0x0  }
0x45: {  	s1 =	rddreg [dreg:$0xa];
	[sflag:s22] =	ssyncadd.s32 $0xFFFFE000  }
0x46: {  	[hbm4b:s1+s2] =	stream.linear.scatter [tilespmem:s12], [sflag:$0xE], $0x2000, $0x38;
	[tilespmem:$0x10200] =	vst v63  }
0x47: {  	_ =	swait.ge [sflag:s20], $0x2000  }
0x48: {  	[sflag:s20] =	ssyncset.done $0x0  }
0x49: {  	s1 =	rddreg [dreg:$0xb];
	[sflag:s20] =	ssyncadd.s32 $0xFFFFE000  }
0x4a: {  	[hbm4b:s1+s2] =	stream.linear.scatter [tilespmem:s9], [sflag:$0xF], $0x2000, $0x38;
	[tilespmem:$0x10200] =	vst v63  }
0x4b: {  	_ =	swait.ge [sflag:s17], $0x2000  }
0x4c: {  	[sflag:s17] =	ssyncset.done $0x0  }
0x4d: {  	s1 =	rddreg [dreg:$0xc];
	[sflag:s17] =	ssyncadd.s32 $0xFFFFE000  }
0x4e: {  	[hbm4b:s1+s2] =	stream.linear.scatter [tilespmem:s7], [sflag:$0x10], $0x2000, $0x38;
	[tilespmem:$0x10200] =	vst v63  }
0x4f: {  	_ =	swait.ge [sflag:s14], $0x2000  }
0x50: {  	[sflag:s14] =	ssyncset.done $0x0  }
0x51: {  	[sflag:s14] =	ssyncadd.s32 $0xFFFFE000  }
0x52: {  	_ =	swait.ge [sflag:s11], $0x2000  }
0x53: {  	[sflag:s11] =	ssyncset.done $0x0  }
0x54: {  	[sflag:s11] =	ssyncadd.s32 $0xFFFFE000  }
0x55: {  	_ =	swait.ge [sflag:s13], $0x2000  }
0x56: {  	[sflag:s13] =	ssyncset.done $0x0  }
0x57: {  	[sflag:s13] =	ssyncadd.s32 $0xFFFFE000  }
0x58: {  	_ =	swait.ge [sflag:s10], $0x2000  }
0x59: {  	[sflag:s10] =	ssyncset.done $0x0  }
0x5a: {  	[sflag:s10] =	ssyncadd.s32 $0xFFFFE000  }
0x5b: {  	_ =	swait.ge [sflag:s8], $0x2000  }
0x5c: {  	[sflag:s8] =	ssyncset.done $0x0  }
0x5d: {  	[sflag:s8] =	ssyncadd.s32 $0xFFFFE000  }
0x5e: {  	_ =	swait.ge [sflag:s6], $0x2000  }
0x5f: {  	[sflag:s6] =	ssyncset.done $0x0  }
0x60: {  	p1 =	sne.s32 s31, $0x1;
	[sflag:s6] =	ssyncadd.s32 $0xFFFFE000  }
.Ltmp1:
0x61: {  	_ =	swait.ge [sflag:s5], $0x2000;
	(pc) =	sbr.rel @!p1 .LBB2_3-.Ltmp1, $4  }
0x62: {  	[sflag:s5] =	ssyncset.done $0x0  }
0x63: {  	[sflag:s5] =	ssyncadd.s32 $0xFFFFE000  }
0x64: {  	p0 =	por $0x1, $0x1;
	_ =	swait.ge [sflag:s4], $0x2000  }
0x65: {  	s1 =	sadd.s32 $0xFFFFFFFF, s31;
	s0 =	rddreg [dreg:$0x4];
	[sflag:s4] =	ssyncset.done $0x0  }
.LBB2_4:
0x66: {  	[sflag:s4] =	ssyncadd.s32 $0xFFFFE000  }
0x67: {  	[tilespmem:s2], [sflag:$0x11] =	stream.linear.gather [hbm4b:s0+s2], $0x200, $0x38;
	[tilespmem:$0x10200] =	vst v63  }
0x68: {  	_ =	swait.ge [sflag:s28], $0x200  }
0x69: {  	[sflag:s28] =	ssyncset.done $0x0  }
0x6a: {  	[sflag:s28] =	ssyncadd.s32 $0xFFFFFE00  }
0x6b: {  	[tilespmem:s21], [sflag:$0x1] =	stream.indirect.gather [hbm4b:s3+s23], $0x80, s2, s23, $0xb8;
	[tilespmem:$0x10200] =	vst v63  }
0x6c: {  	_ = 	snop  }
0x6d: {  	[tilespmem:s19], [sflag:$0x2] =	stream.indirect.gather [hbm4b:s3+s23], $0x80, s23, s23, $0xb8;
	[tilespmem:$0x10200] =	vst v63  }
0x6e: {  	s0 =	rddreg [dreg:$0xd]  }
0x6f: {  	[tilespmem:s18], [sflag:$0x3] =	stream.indirect.gather [hbm4b:s3+s23], $0x80, s0, s23, $0xb8;
	[tilespmem:$0x10200] =	vst v63  }
0x70: {  	s31 =	rddreg [dreg:$0xe]  }
0x71: {  	[tilespmem:s16], [sflag:$0x4] =	stream.indirect.gather [hbm4b:s3+s23], $0x80, s31, s23, $0xb8;
	[tilespmem:$0x10200] =	vst v63  }
0x72: {  	s0 =	rddreg [dreg:$0xf]  }
0x73: {  	[tilespmem:s15], [sflag:$0x5] =	stream.indirect.gather [hbm4b:s3+s23], $0x80, s0, s23, $0xb8;
	[tilespmem:$0x10200] =	vst v63  }
0x74: {  	s31 =	rddreg [dreg:$0x10]  }
0x75: {  	[tilespmem:s12], [sflag:$0x6] =	stream.indirect.gather [hbm4b:s3+s23], $0x80, s31, s23, $0xb8;
	[tilespmem:$0x10200] =	vst v63  }
0x76: {  	s0 =	rddreg [dreg:$0x11]  }
0x77: {  	[tilespmem:s9], [sflag:$0x7] =	stream.indirect.gather [hbm4b:s3+s23], $0x80, s0, s23, $0xb8;
	[tilespmem:$0x10200] =	vst v63  }
0x78: {  	s31 =	simm.s32 $0x1C0  }
0x79: {  	[tilespmem:s7], [sflag:$0x8] =	stream.indirect.gather [hbm4b:s3+s23], $0x80, s31, s23, $0xb8;
	[tilespmem:$0x10200] =	vst v63  }
0x7a: {  	_ =	swait.ge [sflag:s30], $0x2000  }
0x7b: {  	[sflag:s30] =	ssyncset.done $0x0  }
0x7c: {  	s31 =	rddreg [dreg:$0x5];
	[sflag:s30] =	ssyncadd.s32 $0xFFFFE000  }
0x7d: {  	[hbm4b:s31+s2] =	stream.linear.scatter [tilespmem:s21], [sflag:$0x9], $0x2000, $0x38;
	[tilespmem:$0x10200] =	vst v63  }
0x7e: {  	_ =	swait.ge [sflag:s29], $0x2000  }
0x7f: {  	[sflag:s29] =	ssyncset.done $0x0  }
0x80: {  	s31 =	rddreg [dreg:$0x6];
	[sflag:s29] =	ssyncadd.s32 $0xFFFFE000  }
0x81: {  	[hbm4b:s31+s2] =	stream.linear.scatter [tilespmem:s19], [sflag:$0xA], $0x2000, $0x38;
	[tilespmem:$0x10200] =	vst v63  }
0x82: {  	_ =	swait.ge [sflag:s26], $0x2000  }
0x83: {  	[sflag:s26] =	ssyncset.done $0x0  }
0x84: {  	s31 =	rddreg [dreg:$0x7];
	[sflag:s26] =	ssyncadd.s32 $0xFFFFE000  }
0x85: {  	[hbm4b:s31+s2] =	stream.linear.scatter [tilespmem:s18], [sflag:$0xB], $0x2000, $0x38;
	[tilespmem:$0x10200] =	vst v63  }
0x86: {  	_ =	swait.ge [sflag:s25], $0x2000  }
0x87: {  	[sflag:s25] =	ssyncset.done $0x0  }
0x88: {  	s31 =	rddreg [dreg:$0x8];
	[sflag:s25] =	ssyncadd.s32 $0xFFFFE000  }
0x89: {  	[hbm4b:s31+s2] =	stream.linear.scatter [tilespmem:s16], [sflag:$0xC], $0x2000, $0x38;
	[tilespmem:$0x10200] =	vst v63  }
0x8a: {  	_ =	swait.ge [sflag:s24], $0x2000  }
0x8b: {  	[sflag:s24] =	ssyncset.done $0x0  }
0x8c: {  	s31 =	rddreg [dreg:$0x9];
	[sflag:s24] =	ssyncadd.s32 $0xFFFFE000  }
0x8d: {  	[hbm4b:s31+s2] =	stream.linear.scatter [tilespmem:s15], [sflag:$0xD], $0x2000, $0x38;
	[tilespmem:$0x10200] =	vst v63  }
0x8e: {  	_ =	swait.ge [sflag:s22], $0x2000  }
0x8f: {  	[sflag:s22] =	ssyncset.done $0x0  }
0x90: {  	s31 =	rddreg [dreg:$0xa];
	[sflag:s22] =	ssyncadd.s32 $0xFFFFE000  }
0x91: {  	[hbm4b:s31+s2] =	stream.linear.scatter [tilespmem:s12], [sflag:$0xE], $0x2000, $0x38;
	[tilespmem:$0x10200] =	vst v63  }
0x92: {  	_ =	swait.ge [sflag:s20], $0x2000  }
0x93: {  	[sflag:s20] =	ssyncset.done $0x0  }
0x94: {  	s31 =	rddreg [dreg:$0xb];
	[sflag:s20] =	ssyncadd.s32 $0xFFFFE000  }
0x95: {  	[hbm4b:s31+s2] =	stream.linear.scatter [tilespmem:s9], [sflag:$0xF], $0x2000, $0x38;
	[tilespmem:$0x10200] =	vst v63  }
0x96: {  	_ =	swait.ge [sflag:s17], $0x2000  }
0x97: {  	[sflag:s17] =	ssyncset.done $0x0  }
0x98: {  	s31 =	rddreg [dreg:$0xc];
	[sflag:s17] =	ssyncadd.s32 $0xFFFFE000  }
0x99: {  	[hbm4b:s31+s2] =	stream.linear.scatter [tilespmem:s7], [sflag:$0x10], $0x2000, $0x38;
	[tilespmem:$0x10200] =	vst v63  }
0x9a: {  	_ =	swait.ge [sflag:s14], $0x2000  }
0x9b: {  	[sflag:s14] =	ssyncset.done $0x0  }
0x9c: {  	[sflag:s14] =	ssyncadd.s32 $0xFFFFE000  }
0x9d: {  	_ =	swait.ge [sflag:s11], $0x2000  }
0x9e: {  	[sflag:s11] =	ssyncset.done $0x0  }
0x9f: {  	[sflag:s11] =	ssyncadd.s32 $0xFFFFE000  }
0xa0: {  	_ =	swait.ge [sflag:s13], $0x2000  }
0xa1: {  	[sflag:s13] =	ssyncset.done $0x0  }
0xa2: {  	[sflag:s13] =	ssyncadd.s32 $0xFFFFE000  }
0xa3: {  	_ =	swait.ge [sflag:s10], $0x2000  }
0xa4: {  	[sflag:s10] =	ssyncset.done $0x0  }
0xa5: {  	[sflag:s10] =	ssyncadd.s32 $0xFFFFE000  }
0xa6: {  	_ =	swait.ge [sflag:s8], $0x2000  }
0xa7: {  	[sflag:s8] =	ssyncset.done $0x0  }
0xa8: {  	[sflag:s8] =	ssyncadd.s32 $0xFFFFE000  }
0xa9: {  	_ =	swait.ge [sflag:s6], $0x2000  }
0xaa: {  	[sflag:s6] =	ssyncset.done $0x0  }
0xab: {  	p1 =	sne.s32 s1, $0x1;
	[sflag:s6] =	ssyncadd.s32 $0xFFFFE000  }
.Ltmp2:
0xac: {  	_ =	swait.ge [sflag:s5], $0x2000;
	(pc) =	sbr.rel @p1 .LBB2_4-.Ltmp2, $4  }
0xad: {  	[sflag:s5] =	ssyncset.done $0x0  }
0xae: {  	[sflag:s5] =	ssyncadd.s32 $0xFFFFE000  }
0xaf: {  	_ =	swait.ge [sflag:s4], $0x2000  }
0xb0: {  	s1 =	sadd.s32 $0xFFFFFFFF, s1;
	s0 =	rddreg [dreg:$0x4];
	[sflag:s4] =	ssyncset.done $0x0  }
0xb1: {  	s31 =	simm.s32 $0x1C0  }
.LBB2_6:
0xb2: {  	[sflag:s4] =	ssyncadd.s32 @p0 $0xFFFFE000  }
0xb3: {  	[tilespmem:s2], [sflag:$0x11] =	stream.linear.gather [hbm4b:s0+s2], $0x200, $0x38;
	[tilespmem:$0x10200] =	vst v63  }
0xb4: {  	_ =	swait.ge [sflag:s28], $0x200  }
0xb5: {  	[sflag:s28] =	ssyncset.done $0x0  }
0xb6: {  	[sflag:s28] =	ssyncadd.s32 $0xFFFFFE00  }
0xb7: {  	[tilespmem:s21], [sflag:$0x1] =	stream.indirect.gather [hbm4b:s3+s23], $0x80, s2, s23, $0xb8;
	[tilespmem:$0x10200] =	vst v63  }
0xb8: {  	_ = 	snop  }
0xb9: {  	[tilespmem:s19], [sflag:$0x2] =	stream.indirect.gather [hbm4b:s3+s23], $0x80, s23, s23, $0xb8;
	[tilespmem:$0x10200] =	vst v63  }
0xba: {  	s28 =	rddreg [dreg:$0xd]  }
0xbb: {  	[tilespmem:s18], [sflag:$0x3] =	stream.indirect.gather [hbm4b:s3+s23], $0x80, s28, s23, $0xb8;
	[tilespmem:$0x10200] =	vst v63  }
0xbc: {  	s1 =	rddreg [dreg:$0xe]  }
0xbd: {  	[tilespmem:s16], [sflag:$0x4] =	stream.indirect.gather [hbm4b:s3+s23], $0x80, s1, s23, $0xb8;
	[tilespmem:$0x10200] =	vst v63  }
0xbe: {  	s28 =	rddreg [dreg:$0xf]  }
0xbf: {  	[tilespmem:s15], [sflag:$0x5] =	stream.indirect.gather [hbm4b:s3+s23], $0x80, s28, s23, $0xb8;
	[tilespmem:$0x10200] =	vst v63  }
0xc0: {  	s1 =	rddreg [dreg:$0x10]  }
0xc1: {  	[tilespmem:s12], [sflag:$0x6] =	stream.indirect.gather [hbm4b:s3+s23], $0x80, s1, s23, $0xb8;
	[tilespmem:$0x10200] =	vst v63  }
0xc2: {  	s28 =	rddreg [dreg:$0x11]  }
0xc3: {  	[tilespmem:s9], [sflag:$0x7] =	stream.indirect.gather [hbm4b:s3+s23], $0x80, s28, s23, $0xb8;
	[tilespmem:$0x10200] =	vst v63  }
0xc4: {  	_ = 	snop  }
0xc5: {  	[tilespmem:s7], [sflag:$0x8] =	stream.indirect.gather [hbm4b:s3+s23], $0x80, s31, s23, $0xb8;
	[tilespmem:$0x10200] =	vst v63  }
0xc6: {  	_ =	swait.ge [sflag:s30], $0x2000  }
0xc7: {  	[sflag:s30] =	ssyncset.done $0x0  }
0xc8: {  	s1 =	rddreg [dreg:$0x5];
	[sflag:s30] =	ssyncadd.s32 $0xFFFFE000  }
0xc9: {  	[hbm4b:s1+s2] =	stream.linear.scatter [tilespmem:s21], [sflag:$0x9], $0x2000, $0x38;
	[tilespmem:$0x10200] =	vst v63  }
0xca: {  	_ =	swait.ge [sflag:s29], $0x2000  }
0xcb: {  	[sflag:s29] =	ssyncset.done $0x0  }
0xcc: {  	s3 =	rddreg [dreg:$0x6];
	[sflag:s29] =	ssyncadd.s32 $0xFFFFE000  }
0xcd: {  	[hbm4b:s3+s2] =	stream.linear.scatter [tilespmem:s19], [sflag:$0xA], $0x2000, $0x38;
	[tilespmem:$0x10200] =	vst v63  }
0xce: {  	_ =	swait.ge [sflag:s26], $0x2000  }
0xcf: {  	[sflag:s26] =	ssyncset.done $0x0  }
0xd0: {  	s21 =	rddreg [dreg:$0x7];
	[sflag:s26] =	ssyncadd.s32 $0xFFFFE000  }
0xd1: {  	[hbm4b:s21+s2] =	stream.linear.scatter [tilespmem:s18], [sflag:$0xB], $0x2000, $0x38;
	[tilespmem:$0x10200] =	vst v63  }
0xd2: {  	_ =	swait.ge [sflag:s25], $0x2000  }
0xd3: {  	[sflag:s25] =	ssyncset.done $0x0  }
0xd4: {  	s23 =	rddreg [dreg:$0x8];
	[sflag:s25] =	ssyncadd.s32 $0xFFFFE000  }
0xd5: {  	[hbm4b:s23+s2] =	stream.linear.scatter [tilespmem:s16], [sflag:$0xC], $0x2000, $0x38;
	[tilespmem:$0x10200] =	vst v63  }
0xd6: {  	_ =	swait.ge [sflag:s24], $0x2000  }
0xd7: {  	[sflag:s24] =	ssyncset.done $0x0  }
0xd8: {  	s26 =	rddreg [dreg:$0x9];
	[sflag:s24] =	ssyncadd.s32 $0xFFFFE000  }
0xd9: {  	[hbm4b:s26+s2] =	stream.linear.scatter [tilespmem:s15], [sflag:$0xD], $0x2000, $0x38;
	[tilespmem:$0x10200] =	vst v63  }
0xda: {  	_ =	swait.ge [sflag:s22], $0x2000  }
0xdb: {  	[sflag:s22] =	ssyncset.done $0x0  }
0xdc: {  	s28 =	rddreg [dreg:$0xa];
	[sflag:s22] =	ssyncadd.s32 $0xFFFFE000  }
0xdd: {  	[hbm4b:s28+s2] =	stream.linear.scatter [tilespmem:s12], [sflag:$0xE], $0x2000, $0x38;
	[tilespmem:$0x10200] =	vst v63  }
0xde: {  	_ =	swait.ge [sflag:s20], $0x2000  }
0xdf: {  	[sflag:s20] =	ssyncset.done $0x0  }
0xe0: {  	s29 =	rddreg [dreg:$0xb];
	[sflag:s20] =	ssyncadd.s32 $0xFFFFE000  }
0xe1: {  	[hbm4b:s29+s2] =	stream.linear.scatter [tilespmem:s9], [sflag:$0xF], $0x2000, $0x38;
	[tilespmem:$0x10200] =	vst v63  }
0xe2: {  	_ =	swait.ge [sflag:s17], $0x2000  }
0xe3: {  	[sflag:s17] =	ssyncset.done $0x0  }
0xe4: {  	s30 =	rddreg [dreg:$0xc];
	[sflag:s17] =	ssyncadd.s32 $0xFFFFE000  }
0xe5: {  	[hbm4b:s30+s2] =	stream.linear.scatter [tilespmem:s7], [sflag:$0x10], $0x2000, $0x38;
	[tilespmem:$0x10200] =	vst v63  }
0xe6: {  	_ =	swait.ge [sflag:s14], $0x2000  }
0xe7: {  	[sflag:s14] =	ssyncset.done $0x0  }
0xe8: {  	[sflag:s14] =	ssyncadd.s32 $0xFFFFE000  }
0xe9: {  	_ =	swait.ge [sflag:s11], $0x2000  }
0xea: {  	[sflag:s11] =	ssyncset.done $0x0  }
0xeb: {  	[sflag:s11] =	ssyncadd.s32 $0xFFFFE000  }
0xec: {  	_ =	swait.ge [sflag:s13], $0x2000  }
0xed: {  	[sflag:s13] =	ssyncset.done $0x0  }
0xee: {  	[sflag:s13] =	ssyncadd.s32 $0xFFFFE000  }
0xef: {  	_ =	swait.ge [sflag:s10], $0x2000  }
0xf0: {  	[sflag:s10] =	ssyncset.done $0x0  }
0xf1: {  	[sflag:s10] =	ssyncadd.s32 $0xFFFFE000  }
0xf2: {  	_ =	swait.ge [sflag:s8], $0x2000  }
0xf3: {  	[sflag:s8] =	ssyncset.done $0x0  }
0xf4: {  	[sflag:s8] =	ssyncadd.s32 $0xFFFFE000  }
0xf5: {  	_ =	swait.ge [sflag:s6], $0x2000  }
0xf6: {  	[sflag:s6] =	ssyncset.done $0x0  }
0xf7: {  	[sflag:s6] =	ssyncadd.s32 $0xFFFFE000  }
0xf8: {  	_ =	swait.ge [sflag:s5], $0x2000  }
0xf9: {  	[sflag:s5] =	ssyncset.done $0x0  }
0xfa: {  	[sflag:s5] =	ssyncadd.s32 $0xFFFFE000  }
0xfb: {  	_ =	swait.ge [sflag:s4], $0x2000  }
0xfc: {  	[sflag:s4] =	ssyncset.done $0x0  }
0xfd: {  	[sflag:s4] =	ssyncadd.s32 $0xFFFFE000  }
0xfe: {  	_ =	sfence.sel $0x180000  }
0xff: {  	[bflag:$0x0] =	sbarrier.arrive $0xFFFF  }
0x100: {  	_ =	strace $0x90000047  }
0x101: {  	s31 =	stileid.u32;
	[bflag:$0x2] =	sbarrier.arrive $0xFFFF  }
0x102: {  	p0 =	sne.s32 s31, $0x0;
	s0 =	rddreg [dreg:$0x3]  }
0x103: {  	s0 =	sadd.s32 @!p0 $0x100000, s0  }
0x104: {  	[sflag:s0] =	ssyncadd.tile.s32 @!p0 $0x1;
	_ =	shalt  }
.LBB2_1:
.Ltmp3:
0x105: {  	(pc) =	sbr.rel .LBB2_6-.Ltmp3, $2  }
0x106: {  	_ =	sdelay $0x2  }
0x107: {  	s31 =	simm.s32 $0x1C0  }
.LBB2_3:
.Ltmp4:
0x108: {  	(pc) =	sbr.rel .LBB2_6-.Ltmp4, $2  }
0x109: {  	_ =	sdelay $0x2  }
0x10a: {  	s31 =	simm.s32 $0x1C0  }
.Lfunc_end2:
_tile_overlayer_lowered:
.L_overlay_start_2:
0x10b: {  	(tag) =	ssettag $0x2  }
0x10c: {  	s0 =	rddreg [dreg:$0x0];
	s2 =	stileid.u32  }
0x10d: {  	s1 =	rddreg [dreg:$0x1];
	p0 =	sne.s32 s2, $0x0  }
0x10e: {  	s3 =	rddreg [dreg:$0x2];
	[bflag:$0x3] =	sbarrier.arrive $0xFFFF;
	s2 =	simm.s32 @!p0 $0x1C11  }
0x10f: {  	[timem:s3], [sflag:s2] =	dma.local @!p0 [hbm:s0], s1  }
0x110: {  	s0 =	simm.s32 @!p0 $0x11  }
0x111: {  	_ =	swait.ge @!p0 [sflag:s0], s1  }
0x112: {  	s1 =	ssub.s32 @!p0 $0x0, s1;
	[sflag:s0] =	ssyncset.done @!p0 $0x0  }
0x113: {  	[sflag:s0] =	ssyncadd.s32 @!p0 s1  }
0x114: {  	[bflag:$0x3] =	sbarrier.arrive $0xFFFF  }
0x115: {  	_ =	shalt  }

</sc_bundles>
